<compile_context>
chip_gen: v7x
topology: tpu7x:2x2x1
jax: 0.10.2.dev20260603
libtpu: 0.0.44.dev20260713+nightly
codegen_flags: <defaults>
</compile_context>

<pallas_src>
import functools
import jax
import jax.numpy as jnp
from jax import lax
from jax.experimental import pallas as pl
from jax.experimental.pallas import tpu as pltpu
from jax.experimental.pallas import tpu_sc as plsc

N = 10000
NPAD = 10112
STRIPE = NPAD // 16
E = 320000
NW = 32
SHOTS = 125
B = 80
BN = 1000
NBLK = N // BN
F = 128
H = 256
G = 128
C = 16

_mesh = plsc.VectorSubcoreMesh(core_axis_name="c", subcore_axis_name="s")



@functools.partial(
    pl.kernel,
    out_type=jax.ShapeDtypeStruct((4, 2, NPAD, F), jnp.float32),
    mesh=_mesh,
    scratch_types=[
        pltpu.VMEM((16,), jnp.int32),
        pltpu.VMEM((SHOTS, B), jnp.int32),
        pltpu.VMEM((SHOTS, B), jnp.int32),
        pltpu.VMEM((B, F), jnp.float32),
        pltpu.VMEM_SHARED((NPAD, F), jnp.float32),
        pltpu.SemaphoreType.DMA,
    ],
)
def _prop_kernel(h_hbm, src_hbm, dst_hbm, nch_hbm, out_hbm,
                 nch_v, src_v, dst_v, rows_v, acc_sh, sem):
    c = lax.axis_index("c")
    s = lax.axis_index("s")
    w = c * 16 + s
    base = s * STRIPE

    pltpu.sync_copy(nch_hbm, nch_v)
    pltpu.sync_copy(src_hbm.at[w], src_v)
    pltpu.sync_copy(dst_hbm.at[w], dst_v)
    nch = nch_v[pl.ds(0, 16)][0]

    def _fill(val):
        def _row(r, carry):
            for q in range(F // 16):
                rows_v[r, pl.ds(q * 16, 16)] = jnp.full((16,), val,
                                                        jnp.float32)
            return carry
        lax.fori_loop(0, B, _row, 0)

    def _sweep(cc, gather):
        _fill(0.0)
        for k in range(8):
            pltpu.sync_copy(rows_v.at[pl.ds(0, STRIPE // 8)],
                            acc_sh.at[pl.ds(base + k * (STRIPE // 8),
                                            STRIPE // 8)])
        if not gather:
            _fill(1.0)
        plsc.subcore_barrier()

        def _gstep(j, inner):
            pltpu.async_copy(h_hbm.at[cc].at[src_v.at[j]], rows_v, sem).wait()
            pltpu.sync_copy(rows_v, acc_sh.at[dst_v.at[j]], add=True)
            return inner

        def _ostep(j, inner):
            pltpu.sync_copy(rows_v, acc_sh.at[dst_v.at[j]], add=True)
            return inner

        lax.fori_loop(0, SHOTS, _gstep if gather else _ostep, 0)
        plsc.subcore_barrier()
        pltpu.sync_copy(acc_sh.at[pl.ds(base, STRIPE)],
                        out_hbm.at[cc, c, pl.ds(base, STRIPE)])

    def _deg_mode():
        _sweep(0, gather=False)

    def _prop_mode():
        def _body(cc, car):
            lax.cond(cc < nch, lambda: _sweep(cc, gather=True), lambda: None)
            return car
        lax.fori_loop(0, 4, _body, 0)

    lax.cond(nch == 0, _deg_mode, _prop_mode)



def _dinv_of(dp_ref):
    return lax.rsqrt(1.0 + dp_ref[0, 0, :, 0] + dp_ref[0, 1, :, 0])


def _tc0_body(x_ref, dp_ref, xs_ref):
    dinv = _dinv_of(dp_ref)
    xs_ref[0] = x_ref[...] * dinv[:, None]


def _tc0(x, dp):
    return pl.pallas_call(
        _tc0_body,
        grid=(NBLK,),
        in_specs=[
            pl.BlockSpec((BN, F), lambda i: (i, 0)),
            pl.BlockSpec((1, 2, BN, F), lambda i: (0, 0, i, 0)),
        ],
        out_specs=pl.BlockSpec((4, BN, F), lambda i: (0, i, 0)),
        out_shape=jax.ShapeDtypeStruct((4, N, F), jnp.float32),
    )(x, dp)


def _sum_parts(p_ref, h_ref, lo, hi):
    return jnp.concatenate(
        [p_ref[cc, 0] + p_ref[cc, 1] + h_ref[cc] for cc in range(lo, hi)],
        axis=1)


def _tc1_body(zp_ref, xs_ref, dp_ref, w1_ref, b1_ref, w2_ref, b2_ref, out_ref):
    dinv = _dinv_of(dp_ref)
    z = zp_ref[0, 0] + zp_ref[0, 1] + xs_ref[0]
    t = z * dinv[:, None]
    a1 = jnp.maximum(jnp.dot(t, w1_ref[...],
                             preferred_element_type=jnp.float32)
                     + b1_ref[...], 0.0) * dinv[:, None]
    a2 = jnp.maximum(jnp.dot(t, w2_ref[...],
                             preferred_element_type=jnp.float32)
                     + b2_ref[...], 0.0) * dinv[:, None]
    out_ref[0] = a1[:, :F]
    out_ref[1] = a1[:, F:]
    out_ref[2] = a2[:, :F]
    out_ref[3] = a2[:, F:]


def _tc1(zp, xs, dp, W1, b1, W2, b2):
    return pl.pallas_call(
        _tc1_body,
        grid=(NBLK,),
        in_specs=[
            pl.BlockSpec((1, 2, BN, F), lambda i: (0, 0, i, 0)),
            pl.BlockSpec((1, BN, F), lambda i: (0, i, 0)),
            pl.BlockSpec((1, 2, BN, F), lambda i: (0, 0, i, 0)),
            pl.BlockSpec((F, H), lambda i: (0, 0)),
            pl.BlockSpec((1, H), lambda i: (0, 0)),
            pl.BlockSpec((F, H), lambda i: (0, 0)),
            pl.BlockSpec((1, H), lambda i: (0, 0)),
        ],
        out_specs=pl.BlockSpec((4, BN, F), lambda i: (0, i, 0)),
        out_shape=jax.ShapeDtypeStruct((4, N, F), jnp.float32),
    )(zp, xs, dp, W1, b1, W2, b2)


def _tc2_body(qp_ref, h4_ref, dp_ref, wa_ref, ba_ref, wb_ref, bb_ref, out_ref):
    dinv = _dinv_of(dp_ref)
    q1 = _sum_parts(qp_ref, h4_ref, 0, 2)
    q2 = _sum_parts(qp_ref, h4_ref, 2, 4)
    y1 = jnp.maximum(jnp.dot(q1 * dinv[:, None], wa_ref[...],
                             preferred_element_type=jnp.float32)
                     + ba_ref[...], 0.0) * dinv[:, None]
    y2 = jnp.maximum(jnp.dot(q2 * dinv[:, None], wb_ref[...],
                             preferred_element_type=jnp.float32)
                     + bb_ref[...], 0.0) * dinv[:, None]
    u1 = y1 + jnp.concatenate([h4_ref[2], h4_ref[3]], axis=1)
    u2 = y2 + jnp.concatenate([h4_ref[0], h4_ref[1]], axis=1)
    out_ref[0] = u1[:, :F]
    out_ref[1] = u1[:, F:]
    out_ref[2] = u2[:, :F]
    out_ref[3] = u2[:, F:]


def _tc2(qp, h4, dp, Wa, ba, Wb, bb):
    return pl.pallas_call(
        _tc2_body,
        grid=(NBLK,),
        in_specs=[
            pl.BlockSpec((4, 2, BN, F), lambda i: (0, 0, i, 0)),
            pl.BlockSpec((4, BN, F), lambda i: (0, i, 0)),
            pl.BlockSpec((1, 2, BN, F), lambda i: (0, 0, i, 0)),
            pl.BlockSpec((H, H), lambda i: (0, 0)),
            pl.BlockSpec((1, H), lambda i: (0, 0)),
            pl.BlockSpec((H, H), lambda i: (0, 0)),
            pl.BlockSpec((1, H), lambda i: (0, 0)),
        ],
        out_specs=pl.BlockSpec((4, BN, F), lambda i: (0, i, 0)),
        out_shape=jax.ShapeDtypeStruct((4, N, F), jnp.float32),
    )(qp, h4, dp, Wa, ba, Wb, bb)


def _tc3_body(rp_ref, u4_ref, dp_ref, wa_ref, ba_ref, wb_ref, bb_ref,
              batch_ref, wlin_ref, blin_ref, y_ref, gm_ref, acc_ref, cnt_ref):
    i = pl.program_id(0)
    dinv = _dinv_of(dp_ref)
    r1 = _sum_parts(rp_ref, u4_ref, 0, 2)
    r2 = _sum_parts(rp_ref, u4_ref, 2, 4)
    c1 = jnp.maximum(jnp.dot(r1 * dinv[:, None], wa_ref[...],
                             preferred_element_type=jnp.float32)
                     + ba_ref[...], 0.0)
    c2 = jnp.maximum(jnp.dot(r2 * dinv[:, None], wb_ref[...],
                             preferred_element_type=jnp.float32)
                     + bb_ref[...], 0.0)
    xc = c1 + c2

    bb_ids = batch_ref[0, 0, :]
    gids = lax.broadcasted_iota(jnp.int32, (G, BN), 0)
    m = (gids == bb_ids[None, :]).astype(jnp.float32)
    part = jnp.dot(m, xc, preferred_element_type=jnp.float32)
    pc = jnp.sum(m, axis=1, keepdims=True)

    @pl.when(i == 0)
    def _init():
        acc_ref[...] = part
        cnt_ref[...] = pc

    @pl.when(i > 0)
    def _accum():
        acc_ref[...] += part
        cnt_ref[...] += pc

    @pl.when(i == NBLK - 1)
    def _final():
        gm = acc_ref[...] / jnp.maximum(cnt_ref[...], 1.0)
        gm_ref[...] = gm
        y_ref[...] = jnp.dot(gm, wlin_ref[...],
                             preferred_element_type=jnp.float32) + blin_ref[...]


def _tc3(rp, u4, dp, Wa, ba, Wb, bb, batch3, Wlin, blin):
    return pl.pallas_call(
        _tc3_body,
        grid=(NBLK,),
        in_specs=[
            pl.BlockSpec((4, 2, BN, F), lambda i: (0, 0, i, 0)),
            pl.BlockSpec((4, BN, F), lambda i: (0, i, 0)),
            pl.BlockSpec((1, 2, BN, F), lambda i: (0, 0, i, 0)),
            pl.BlockSpec((H, H), lambda i: (0, 0)),
            pl.BlockSpec((1, H), lambda i: (0, 0)),
            pl.BlockSpec((H, H), lambda i: (0, 0)),
            pl.BlockSpec((1, H), lambda i: (0, 0)),
            pl.BlockSpec((1, 1, BN), lambda i: (i, 0, 0)),
            pl.BlockSpec((H, C), lambda i: (0, 0)),
            pl.BlockSpec((1, C), lambda i: (0, 0)),
        ],
        out_specs=[
            pl.BlockSpec((G, C), lambda i: (0, 0)),
            pl.BlockSpec((G, H), lambda i: (0, 0)),
        ],
        out_shape=[
            jax.ShapeDtypeStruct((G, C), jnp.float32),
            jax.ShapeDtypeStruct((G, H), jnp.float32),
        ],
        scratch_shapes=[
            pltpu.VMEM((G, H), jnp.float32),
            pltpu.VMEM((G, 1), jnp.float32),
        ],
    )(rp, u4, dp, Wa, ba, Wb, bb, batch3, Wlin, blin)



def kernel(x, edge_index, batch, W1, b1, W2, b2, Wseq, bseq, Wlin, blin):
    src3 = edge_index[0].reshape(NW, SHOTS, B)
    dst3 = edge_index[1].reshape(NW, SHOTS, B)
    batch3 = batch.reshape(NBLK, 1, BN)
    b1r = b1.reshape(1, H)
    b2r = b2.reshape(1, H)
    bs = [bseq[i].reshape(1, H) for i in range(4)]
    blinr = blin.reshape(1, C)
    nch_rounds = jnp.array([0, 1, 4, 4], jnp.int32)[:, None] * jnp.ones(
        (1, 16), jnp.int32)
    h0 = jnp.zeros((4, N, F), jnp.float32)
    dp0 = jnp.zeros((4, 2, NPAD, F), jnp.float32)

    def _round(carry, xr):
        h, dp, _ = carry
        r, nch = xr
        parts = _prop_kernel(h, src3, dst3, nch)

        def b0():
            return _tc0(x, parts), parts

        def b1():
            return _tc1(parts, h, dp, W1, b1r, W2, b2r), dp

        def b2():
            return _tc2(parts, h, dp, Wseq[0], bs[0], Wseq[1], bs[1]), dp

        def b3():
            return h, dp

        h2, dp2 = lax.switch(r, [b0, b1, b2, b3])
        return (h2, dp2, parts), None

    (u4, dp, rp), _ = lax.scan(
        _round, (h0, dp0, dp0), (jnp.arange(4), nch_rounds))
    y, gm = _tc3(rp, u4, dp, Wseq[2], bs[2], Wseq[3], bs[3],
                 batch3, Wlin, blinr)
    return (y, gm)

# --- scband reference (transcript-rebuilt; emitter-appended) ---
"""Pipeline reference for scband-cross-block-gnn-65970697666565 (READ-ONLY COPY).

The authoritative reference and input builder live on the scoring server;
editing this copy changes nothing except your own understanding.
"""

import jax, jax.numpy as jnp
import numpy as np

N = 10000
E = 320000
F_IN = 128
H = 256
C = 16
G = 128
L = 4  # hidden_layer * 2


def _glorot(key, shape):
    fan_in, fan_out = shape[0], shape[1]
    lim = float(np.sqrt(6.0 / (fan_in + fan_out)))
    return jax.random.uniform(key, shape, jnp.float32, -lim, lim)


def setup_inputs(seed: int = 0) -> dict:
    key = jax.random.key(seed)
    ks = jax.random.split(key, 12)
    x = jax.random.normal(ks[0], (N, F_IN), jnp.float32)
    edge_index = jax.random.randint(ks[1], (2, E), 0, N, dtype=jnp.int32)
    batch = jnp.sort(jax.random.randint(ks[2], (N,), 0, G, dtype=jnp.int32))
    W1 = _glorot(ks[3], (F_IN, H)); b1 = jnp.zeros((H,), jnp.float32)
    W2 = _glorot(ks[4], (F_IN, H)); b2 = jnp.zeros((H,), jnp.float32)
    Wseq = jnp.stack([_glorot(jax.random.fold_in(ks[5], i), (H, H)) for i in range(L)])
    bseq = jnp.zeros((L, H), jnp.float32)
    Wlin = _glorot(ks[6], (H, C)); blin = jnp.zeros((C,), jnp.float32)
    return {"x": x, "edge_index": edge_index, "batch": batch,
            "W1": W1, "b1": b1, "W2": W2, "b2": b2,
            "Wseq": Wseq, "bseq": bseq, "Wlin": Wlin, "blin": blin}


def _gcn(h_in, W, b, src, dst, norm, n):
    h = h_in @ W
    msg = h[src] * norm[:, None]
    agg = jnp.zeros((n, W.shape[1]), h.dtype).at[dst].add(msg)
    return agg + b


def reference(x, edge_index, batch, W1, b1, W2, b2, Wseq, bseq, Wlin, blin):
    n = x.shape[0]
    loops = jnp.arange(n, dtype=edge_index.dtype)
    src = jnp.concatenate([edge_index[0], loops])
    dst = jnp.concatenate([edge_index[1], loops])
    deg = jnp.zeros((n,), jnp.float32).at[dst].add(1.0)
    dinv = jnp.where(deg > 0, 1.0 / jnp.sqrt(deg), 0.0)
    norm = dinv[src] * dinv[dst]

    x_cur_1 = jax.nn.relu(_gcn(x, W1, b1, src, dst, norm, n))
    x_cur_2 = jax.nn.relu(_gcn(x, W2, b2, src, dst, norm, n))
    x_pre_1 = jnp.zeros_like(x_cur_1)
    x_pre_2 = jnp.zeros_like(x_cur_2)
    for i in range(0, L, 2):
        x_temp_1 = x_cur_1
        x_temp_2 = x_cur_2
        x_cur_1 = jax.nn.relu(_gcn(x_cur_1 + x_pre_2, Wseq[i], bseq[i], src, dst, norm, n))
        x_cur_2 = jax.nn.relu(_gcn(x_cur_2 + x_pre_1, Wseq[i + 1], bseq[i + 1], src, dst, norm, n))
        x_pre_1 = x_temp_1
        x_pre_2 = x_temp_2
    # dropout is identity in eval mode (training=False)
    x_cur = x_cur_1 + x_cur_2
    sums = jnp.zeros((G, H), jnp.float32).at[batch].add(x_cur)
    cnt = jnp.zeros((G,), jnp.float32).at[batch].add(1.0)
    global_mean = sums / jnp.clip(cnt, 1.0)[:, None]
    y = global_mean @ Wlin + blin
    return (y, global_mean)

if __name__ == "__main__":
    import jax
    _d = setup_inputs()
    print(jax.jit(kernel)(*tuple(_d.values())))

</pallas_src>

<mosaic_0001>
#map = affine_map<(d0, d1) -> (0, 0, 0)>
#map1 = affine_map<(d0, d1) -> (0)>
#map2 = affine_map<(d0, d1) -> (0, 0, 0, 0)>
module attributes {stable_mosaic.version = 14 : i64} {
  func.func @_prop_kernel(%arg0: i32, %arg1: i32, %arg2: memref<4x10000x128xf32, #tpu.memory_space<hbm>>, %arg3: memref<32x125x80xi32, #tpu.memory_space<hbm>>, %arg4: memref<32x125x80xi32, #tpu.memory_space<hbm>>, %arg5: memref<16xi32, #tpu.memory_space<hbm>>, %arg6: memref<4x2x10112x128xf32, #tpu.memory_space<hbm>>, %arg7: memref<16xi32, #tpu.memory_space<vmem>>, %arg8: memref<125x80xi32, #tpu.memory_space<vmem>>, %arg9: memref<125x80xi32, #tpu.memory_space<vmem>>, %arg10: memref<80x128xf32, #tpu.memory_space<vmem>>, %arg11: memref<10112x128xf32, #tpu.memory_space<vmem_shared>>, %arg12: memref<!tpu.dma_semaphore, #tpu.memory_space<semaphore_mem>>) attributes {dimension_semantics = [#tpu.dimension_semantics<core_parallel>, #tpu.dimension_semantics<subcore_parallel>], iteration_bounds = array<i64: 2, 16>, scalar_prefetch = 0 : i64, scratch_operands = 6 : i64, tpu.core_type = #tpu.core_type<sc_vector_subcore>, window_params = [{transform_indices = #map}, {transform_indices = #map}, {transform_indices = #map}, {transform_indices = #map1}, {transform_indices = #map2}]} {
    %mul3A = arith.constant 16 : i32
    %mul3A_0 = arith.muli %arg0, %mul3A : i32
    %add3A = arith.addi %mul3A_0, %arg1 : i32
    %mul3A_1 = arith.constant 632 : i32
    %mul3A_2 = arith.muli %arg1, %mul3A_1 : i32
    "tpu.region"() ({
      %run_scoped3A = tpu.sem_alloc : memref<!tpu.dma_semaphore, #tpu.memory_space<semaphore_mem>>
      tpu.enqueue_dma source(%arg5 : memref<16xi32, #tpu.memory_space<hbm>>) target(%arg7 : memref<16xi32, #tpu.memory_space<vmem>>) target_semaphore(%run_scoped3A : memref<!tpu.dma_semaphore, #tpu.memory_space<semaphore_mem>>)
      tpu.wait_dma2 semaphore(%run_scoped3A : memref<!tpu.dma_semaphore, #tpu.memory_space<semaphore_mem>>) src(%arg5 : memref<16xi32, #tpu.memory_space<hbm>>) dst(%arg7 : memref<16xi32, #tpu.memory_space<vmem>>)
      tpu.yield
    }) : () -> ()
    "tpu.region"() ({
      %run_scoped3A = tpu.sem_alloc : memref<!tpu.dma_semaphore, #tpu.memory_space<semaphore_mem>>
      %dma_start3A = arith.constant 0 : i32
      %dma_start3A_7 = arith.constant 0 : i32
      %dma_start3A_8 = tpu.memref_slice %arg3[%add3A, %dma_start3A, %dma_start3A_7] : memref<32x125x80xi32, #tpu.memory_space<hbm>> -> memref<1x125x80xi32, #tpu.memory_space<hbm>>
      %dma_start3A_9 = tpu.memref_squeeze %dma_start3A_8 : memref<1x125x80xi32, #tpu.memory_space<hbm>> -> memref<125x80xi32, #tpu.memory_space<hbm>>
      %dma_start3A_10 = arith.constant 0 : i32
      %dma_start3A_11 = arith.constant 0 : i32
      %dma_start3A_12 = tpu.memref_slice %arg3[%add3A, %dma_start3A_10, %dma_start3A_11] : memref<32x125x80xi32, #tpu.memory_space<hbm>> -> memref<1x125x80xi32, #tpu.memory_space<hbm>>
      %dma_start3A_13 = tpu.memref_squeeze %dma_start3A_12 : memref<1x125x80xi32, #tpu.memory_space<hbm>> -> memref<125x80xi32, #tpu.memory_space<hbm>>
      tpu.enqueue_dma source(%dma_start3A_13 : memref<125x80xi32, #tpu.memory_space<hbm>>) target(%arg8 : memref<125x80xi32, #tpu.memory_space<vmem>>) target_semaphore(%run_scoped3A : memref<!tpu.dma_semaphore, #tpu.memory_space<semaphore_mem>>)
      %dma_wait3A = arith.constant 0 : i32
      %dma_wait3A_14 = arith.constant 0 : i32
      %dma_wait3A_15 = tpu.memref_slice %arg3[%add3A, %dma_wait3A, %dma_wait3A_14] : memref<32x125x80xi32, #tpu.memory_space<hbm>> -> memref<1x125x80xi32, #tpu.memory_space<hbm>>
      %dma_wait3A_16 = tpu.memref_squeeze %dma_wait3A_15 : memref<1x125x80xi32, #tpu.memory_space<hbm>> -> memref<125x80xi32, #tpu.memory_space<hbm>>
      %dma_wait3A_17 = arith.constant 0 : i32
      %dma_wait3A_18 = arith.constant 0 : i32
      %dma_wait3A_19 = tpu.memref_slice %arg3[%add3A, %dma_wait3A_17, %dma_wait3A_18] : memref<32x125x80xi32, #tpu.memory_space<hbm>> -> memref<1x125x80xi32, #tpu.memory_space<hbm>>
      %dma_wait3A_20 = tpu.memref_squeeze %dma_wait3A_19 : memref<1x125x80xi32, #tpu.memory_space<hbm>> -> memref<125x80xi32, #tpu.memory_space<hbm>>
      tpu.wait_dma2 semaphore(%run_scoped3A : memref<!tpu.dma_semaphore, #tpu.memory_space<semaphore_mem>>) src(%dma_wait3A_20 : memref<125x80xi32, #tpu.memory_space<hbm>>) dst(%arg8 : memref<125x80xi32, #tpu.memory_space<vmem>>)
      tpu.yield
    }) : () -> ()
    "tpu.region"() ({
      %run_scoped3A = tpu.sem_alloc : memref<!tpu.dma_semaphore, #tpu.memory_space<semaphore_mem>>
      %dma_start3A = arith.constant 0 : i32
      %dma_start3A_7 = arith.constant 0 : i32
      %dma_start3A_8 = tpu.memref_slice %arg4[%add3A, %dma_start3A, %dma_start3A_7] : memref<32x125x80xi32, #tpu.memory_space<hbm>> -> memref<1x125x80xi32, #tpu.memory_space<hbm>>
      %dma_start3A_9 = tpu.memref_squeeze %dma_start3A_8 : memref<1x125x80xi32, #tpu.memory_space<hbm>> -> memref<125x80xi32, #tpu.memory_space<hbm>>
      %dma_start3A_10 = arith.constant 0 : i32
      %dma_start3A_11 = arith.constant 0 : i32
      %dma_start3A_12 = tpu.memref_slice %arg4[%add3A, %dma_start3A_10, %dma_start3A_11] : memref<32x125x80xi32, #tpu.memory_space<hbm>> -> memref<1x125x80xi32, #tpu.memory_space<hbm>>
      %dma_start3A_13 = tpu.memref_squeeze %dma_start3A_12 : memref<1x125x80xi32, #tpu.memory_space<hbm>> -> memref<125x80xi32, #tpu.memory_space<hbm>>
      tpu.enqueue_dma source(%dma_start3A_13 : memref<125x80xi32, #tpu.memory_space<hbm>>) target(%arg9 : memref<125x80xi32, #tpu.memory_space<vmem>>) target_semaphore(%run_scoped3A : memref<!tpu.dma_semaphore, #tpu.memory_space<semaphore_mem>>)
      %dma_wait3A = arith.constant 0 : i32
      %dma_wait3A_14 = arith.constant 0 : i32
      %dma_wait3A_15 = tpu.memref_slice %arg4[%add3A, %dma_wait3A, %dma_wait3A_14] : memref<32x125x80xi32, #tpu.memory_space<hbm>> -> memref<1x125x80xi32, #tpu.memory_space<hbm>>
      %dma_wait3A_16 = tpu.memref_squeeze %dma_wait3A_15 : memref<1x125x80xi32, #tpu.memory_space<hbm>> -> memref<125x80xi32, #tpu.memory_space<hbm>>
      %dma_wait3A_17 = arith.constant 0 : i32
      %dma_wait3A_18 = arith.constant 0 : i32
      %dma_wait3A_19 = tpu.memref_slice %arg4[%add3A, %dma_wait3A_17, %dma_wait3A_18] : memref<32x125x80xi32, #tpu.memory_space<hbm>> -> memref<1x125x80xi32, #tpu.memory_space<hbm>>
      %dma_wait3A_20 = tpu.memref_squeeze %dma_wait3A_19 : memref<1x125x80xi32, #tpu.memory_space<hbm>> -> memref<125x80xi32, #tpu.memory_space<hbm>>
      tpu.wait_dma2 semaphore(%run_scoped3A : memref<!tpu.dma_semaphore, #tpu.memory_space<semaphore_mem>>) src(%dma_wait3A_20 : memref<125x80xi32, #tpu.memory_space<hbm>>) dst(%arg9 : memref<125x80xi32, #tpu.memory_space<vmem>>)
      tpu.yield
    }) : () -> ()
    %get3A = arith.constant 0 : index
    %get3A_3 = tpu.vector_load %arg7[%get3A] {strides = array<i32>} : memref<16xi32, #tpu.memory_space<vmem>>, vector<16xi32>,
    %get3A_4 = vector.shape_cast %get3A_3 : vector<16xi32> to vector<16xi32>
    %slice3A = vector.extract_strided_slice %get3A_4 {offsets = [0], sizes = [1], strides = [1]} : vector<16xi32> to vector<1xi32>
    %squeeze3A = vector.extract %slice3A[0] : i32 from vector<1xi32>
    %eq3A = arith.constant 0 : i32
    %eq3A_5 = arith.cmpi eq, %squeeze3A, %eq3A : i32
    %convert_element_type3A = arith.extui %eq3A_5 : i1 to i32
    %cond3A = arith.constant 0 : i32
    %cond3A_6 = arith.cmpi ne, %convert_element_type3A, %cond3A : i32
    scf.if %cond3A_6 {
      %scan3A = arith.constant 0 : i32
      %scan3A_7 = arith.constant 0 : i32
      %scan3A_8 = arith.constant 80 : i32
      %scan3A_9 = arith.addi %scan3A_7, %scan3A_8 : i32
      %scan3A_10 = arith.constant 1 : i32
      scf.for %scan3A_41 = %scan3A_7 to %scan3A_9 step %scan3A_10  : i32 {
        %broadcast_in_dim3A = arith.constant 0.000000e+00 : f32
        %broadcast_in_dim3A_42 = vector.broadcast %broadcast_in_dim3A : f32 to vector<16xf32>
        %swap3A = arith.index_cast %scan3A_41 : i32 to index
        %swap3A_43 = arith.constant 0 : index
        %swap3A_44 = tpu.vector_load %arg10[%swap3A, %swap3A_43] {strides = array<i32>} : memref<80x128xf32, #tpu.memory_space<vmem>>, vector<1x16xf32>,
        %swap3A_45 = vector.shape_cast %swap3A_44 : vector<1x16xf32> to vector<16xf32>
        %swap3A_46 = vector.shape_cast %broadcast_in_dim3A_42 : vector<16xf32> to vector<1x16xf32>
        tpu.vector_store %arg10[%swap3A, %swap3A_43], %swap3A_46 {strides = array<i32>} : memref<80x128xf32, #tpu.memory_space<vmem>>, vector<1x16xf32>,
        %broadcast_in_dim3A_47 = arith.constant 0.000000e+00 : f32
        %broadcast_in_dim3A_48 = vector.broadcast %broadcast_in_dim3A_47 : f32 to vector<16xf32>
        %swap3A_49 = arith.index_cast %scan3A_41 : i32 to index
        %swap3A_50 = arith.constant 16 : index
        %swap3A_51 = tpu.vector_load %arg10[%swap3A_49, %swap3A_50] {strides = array<i32>} : memref<80x128xf32, #tpu.memory_space<vmem>>, vector<1x16xf32>,
        %swap3A_52 = vector.shape_cast %swap3A_51 : vector<1x16xf32> to vector<16xf32>
        %swap3A_53 = vector.shape_cast %broadcast_in_dim3A_48 : vector<16xf32> to vector<1x16xf32>
        tpu.vector_store %arg10[%swap3A_49, %swap3A_50], %swap3A_53 {strides = array<i32>} : memref<80x128xf32, #tpu.memory_space<vmem>>, vector<1x16xf32>,
        %broadcast_in_dim3A_54 = arith.constant 0.000000e+00 : f32
        %broadcast_in_dim3A_55 = vector.broadcast %broadcast_in_dim3A_54 : f32 to vector<16xf32>
        %swap3A_56 = arith.index_cast %scan3A_41 : i32 to index
        %swap3A_57 = arith.constant 32 : index
        %swap3A_58 = tpu.vector_load %arg10[%swap3A_56, %swap3A_57] {strides = array<i32>} : memref<80x128xf32, #tpu.memory_space<vmem>>, vector<1x16xf32>,
        %swap3A_59 = vector.shape_cast %swap3A_58 : vector<1x16xf32> to vector<16xf32>
        %swap3A_60 = vector.shape_cast %broadcast_in_dim3A_55 : vector<16xf32> to vector<1x16xf32>
        tpu.vector_store %arg10[%swap3A_56, %swap3A_57], %swap3A_60 {strides = array<i32>} : memref<80x128xf32, #tpu.memory_space<vmem>>, vector<1x16xf32>,
        %broadcast_in_dim3A_61 = arith.constant 0.000000e+00 : f32
        %broadcast_in_dim3A_62 = vector.broadcast %broadcast_in_dim3A_61 : f32 to vector<16xf32>
        %swap3A_63 = arith.index_cast %scan3A_41 : i32 to index
        %swap3A_64 = arith.constant 48 : index
        %swap3A_65 = tpu.vector_load %arg10[%swap3A_63, %swap3A_64] {strides = array<i32>} : memref<80x128xf32, #tpu.memory_space<vmem>>, vector<1x16xf32>,
        %swap3A_66 = vector.shape_cast %swap3A_65 : vector<1x16xf32> to vector<16xf32>
        %swap3A_67 = vector.shape_cast %broadcast_in_dim3A_62 : vector<16xf32> to vector<1x16xf32>
        tpu.vector_store %arg10[%swap3A_63, %swap3A_64], %swap3A_67 {strides = array<i32>} : memref<80x128xf32, #tpu.memory_space<vmem>>, vector<1x16xf32>,
        %broadcast_in_dim3A_68 = arith.constant 0.000000e+00 : f32
        %broadcast_in_dim3A_69 = vector.broadcast %broadcast_in_dim3A_68 : f32 to vector<16xf32>
        %swap3A_70 = arith.index_cast %scan3A_41 : i32 to index
        %swap3A_71 = arith.constant 64 : index
        %swap3A_72 = tpu.vector_load %arg10[%swap3A_70, %swap3A_71] {strides = array<i32>} : memref<80x128xf32, #tpu.memory_space<vmem>>, vector<1x16xf32>,
        %swap3A_73 = vector.shape_cast %swap3A_72 : vector<1x16xf32> to vector<16xf32>
        %swap3A_74 = vector.shape_cast %broadcast_in_dim3A_69 : vector<16xf32> to vector<1x16xf32>
        tpu.vector_store %arg10[%swap3A_70, %swap3A_71], %swap3A_74 {strides = array<i32>} : memref<80x128xf32, #tpu.memory_space<vmem>>, vector<1x16xf32>,
        %broadcast_in_dim3A_75 = arith.constant 0.000000e+00 : f32
        %broadcast_in_dim3A_76 = vector.broadcast %broadcast_in_dim3A_75 : f32 to vector<16xf32>
        %swap3A_77 = arith.index_cast %scan3A_41 : i32 to index
        %swap3A_78 = arith.constant 80 : index
        %swap3A_79 = tpu.vector_load %arg10[%swap3A_77, %swap3A_78] {strides = array<i32>} : memref<80x128xf32, #tpu.memory_space<vmem>>, vector<1x16xf32>,
        %swap3A_80 = vector.shape_cast %swap3A_79 : vector<1x16xf32> to vector<16xf32>
        %swap3A_81 = vector.shape_cast %broadcast_in_dim3A_76 : vector<16xf32> to vector<1x16xf32>
        tpu.vector_store %arg10[%swap3A_77, %swap3A_78], %swap3A_81 {strides = array<i32>} : memref<80x128xf32, #tpu.memory_space<vmem>>, vector<1x16xf32>,
        %broadcast_in_dim3A_82 = arith.constant 0.000000e+00 : f32
        %broadcast_in_dim3A_83 = vector.broadcast %broadcast_in_dim3A_82 : f32 to vector<16xf32>
        %swap3A_84 = arith.index_cast %scan3A_41 : i32 to index
        %swap3A_85 = arith.constant 96 : index
        %swap3A_86 = tpu.vector_load %arg10[%swap3A_84, %swap3A_85] {strides = array<i32>} : memref<80x128xf32, #tpu.memory_space<vmem>>, vector<1x16xf32>,
        %swap3A_87 = vector.shape_cast %swap3A_86 : vector<1x16xf32> to vector<16xf32>
        %swap3A_88 = vector.shape_cast %broadcast_in_dim3A_83 : vector<16xf32> to vector<1x16xf32>
        tpu.vector_store %arg10[%swap3A_84, %swap3A_85], %swap3A_88 {strides = array<i32>} : memref<80x128xf32, #tpu.memory_space<vmem>>, vector<1x16xf32>,
        %broadcast_in_dim3A_89 = arith.constant 0.000000e+00 : f32
        %broadcast_in_dim3A_90 = vector.broadcast %broadcast_in_dim3A_89 : f32 to vector<16xf32>
        %swap3A_91 = arith.index_cast %scan3A_41 : i32 to index
        %swap3A_92 = arith.constant 112 : index
        %swap3A_93 = tpu.vector_load %arg10[%swap3A_91, %swap3A_92] {strides = array<i32>} : memref<80x128xf32, #tpu.memory_space<vmem>>, vector<1x16xf32>,
        %swap3A_94 = vector.shape_cast %swap3A_93 : vector<1x16xf32> to vector<16xf32>
        %swap3A_95 = vector.shape_cast %broadcast_in_dim3A_90 : vector<16xf32> to vector<1x16xf32>
        tpu.vector_store %arg10[%swap3A_91, %swap3A_92], %swap3A_95 {strides = array<i32>} : memref<80x128xf32, #tpu.memory_space<vmem>>, vector<1x16xf32>,
      }
      %scan3A_11 = arith.constant 80 : i32
      %add3A_12 = arith.constant 0 : i32
      %add3A_13 = arith.addi %mul3A_2, %add3A_12 : i32
      "tpu.region"() ({
        %run_scoped3A_41 = tpu.sem_alloc : memref<!tpu.dma_semaphore, #tpu.memory_space<semaphore_mem>>
        %dma_start3A = arith.constant 0 : i32
        %dma_start3A_42 = arith.constant 0 : i32
        %dma_start3A_43 = tpu.memref_slice %arg10[%dma_start3A, %dma_start3A_42] : memref<80x128xf32, #tpu.memory_space<vmem>> -> memref<79x128xf32, #tpu.memory_space<vmem>>
        %dma_start3A_44 = arith.constant 0 : i32
        %dma_start3A_45 = tpu.memref_slice %arg11[%add3A_13, %dma_start3A_44] : memref<10112x128xf32, #tpu.memory_space<vmem_shared>> -> memref<79x128xf32, #tpu.memory_space<vmem_shared>>
        %dma_start3A_46 = arith.constant 0 : i32
        %dma_start3A_47 = tpu.memref_slice %arg11[%add3A_13, %dma_start3A_46] : memref<10112x128xf32, #tpu.memory_space<vmem_shared>> -> memref<79x128xf32, #tpu.memory_space<vmem_shared>>
        %dma_start3A_48 = arith.constant 0 : i32
        %dma_start3A_49 = arith.constant 0 : i32
        %dma_start3A_50 = tpu.memref_slice %arg10[%dma_start3A_48, %dma_start3A_49] : memref<80x128xf32, #tpu.memory_space<vmem>> -> memref<79x128xf32, #tpu.memory_space<vmem>>
        tpu.enqueue_dma source(%dma_start3A_50 : memref<79x128xf32, #tpu.memory_space<vmem>>) target(%dma_start3A_47 : memref<79x128xf32, #tpu.memory_space<vmem_shared>>) target_semaphore(%run_scoped3A_41 : memref<!tpu.dma_semaphore, #tpu.memory_space<semaphore_mem>>)
        %dma_wait3A = arith.constant 0 : i32
        %dma_wait3A_51 = arith.constant 0 : i32
        %dma_wait3A_52 = tpu.memref_slice %arg10[%dma_wait3A, %dma_wait3A_51] : memref<80x128xf32, #tpu.memory_space<vmem>> -> memref<79x128xf32, #tpu.memory_space<vmem>>
        %dma_wait3A_53 = arith.constant 0 : i32
        %dma_wait3A_54 = tpu.memref_slice %arg11[%add3A_13, %dma_wait3A_53] : memref<10112x128xf32, #tpu.memory_space<vmem_shared>> -> memref<79x128xf32, #tpu.memory_space<vmem_shared>>
        %dma_wait3A_55 = arith.constant 0 : i32
        %dma_wait3A_56 = tpu.memref_slice %arg11[%add3A_13, %dma_wait3A_55] : memref<10112x128xf32, #tpu.memory_space<vmem_shared>> -> memref<79x128xf32, #tpu.memory_space<vmem_shared>>
        %dma_wait3A_57 = arith.constant 0 : i32
        %dma_wait3A_58 = arith.constant 0 : i32
        %dma_wait3A_59 = tpu.memref_slice %arg10[%dma_wait3A_57, %dma_wait3A_58] : memref<80x128xf32, #tpu.memory_space<vmem>> -> memref<79x128xf32, #tpu.memory_space<vmem>>
        tpu.wait_dma2 semaphore(%run_scoped3A_41 : memref<!tpu.dma_semaphore, #tpu.memory_space<semaphore_mem>>) src(%dma_wait3A_59 : memref<79x128xf32, #tpu.memory_space<vmem>>) dst(%dma_wait3A_56 : memref<79x128xf32, #tpu.memory_space<vmem_shared>>)
        tpu.yield
      }) : () -> ()
      %add3A_14 = arith.constant 79 : i32
      %add3A_15 = arith.addi %mul3A_2, %add3A_14 : i32
      "tpu.region"() ({
        %run_scoped3A_41 = tpu.sem_alloc : memref<!tpu.dma_semaphore, #tpu.memory_space<semaphore_mem>>
        %dma_start3A = arith.constant 0 : i32
        %dma_start3A_42 = arith.constant 0 : i32
        %dma_start3A_43 = tpu.memref_slice %arg10[%dma_start3A, %dma_start3A_42] : memref<80x128xf32, #tpu.memory_space<vmem>> -> memref<79x128xf32, #tpu.memory_space<vmem>>
        %dma_start3A_44 = arith.constant 0 : i32
        %dma_start3A_45 = tpu.memref_slice %arg11[%add3A_15, %dma_start3A_44] : memref<10112x128xf32, #tpu.memory_space<vmem_shared>> -> memref<79x128xf32, #tpu.memory_space<vmem_shared>>
        %dma_start3A_46 = arith.constant 0 : i32
        %dma_start3A_47 = tpu.memref_slice %arg11[%add3A_15, %dma_start3A_46] : memref<10112x128xf32, #tpu.memory_space<vmem_shared>> -> memref<79x128xf32, #tpu.memory_space<vmem_shared>>
        %dma_start3A_48 = arith.constant 0 : i32
        %dma_start3A_49 = arith.constant 0 : i32
        %dma_start3A_50 = tpu.memref_slice %arg10[%dma_start3A_48, %dma_start3A_49] : memref<80x128xf32, #tpu.memory_space<vmem>> -> memref<79x128xf32, #tpu.memory_space<vmem>>
        tpu.enqueue_dma source(%dma_start3A_50 : memref<79x128xf32, #tpu.memory_space<vmem>>) target(%dma_start3A_47 : memref<79x128xf32, #tpu.memory_space<vmem_shared>>) target_semaphore(%run_scoped3A_41 : memref<!tpu.dma_semaphore, #tpu.memory_space<semaphore_mem>>)
        %dma_wait3A = arith.constant 0 : i32
        %dma_wait3A_51 = arith.constant 0 : i32
        %dma_wait3A_52 = tpu.memref_slice %arg10[%dma_wait3A, %dma_wait3A_51] : memref<80x128xf32, #tpu.memory_space<vmem>> -> memref<79x128xf32, #tpu.memory_space<vmem>>
        %dma_wait3A_53 = arith.constant 0 : i32
        %dma_wait3A_54 = tpu.memref_slice %arg11[%add3A_15, %dma_wait3A_53] : memref<10112x128xf32, #tpu.memory_space<vmem_shared>> -> memref<79x128xf32, #tpu.memory_space<vmem_shared>>
        %dma_wait3A_55 = arith.constant 0 : i32
        %dma_wait3A_56 = tpu.memref_slice %arg11[%add3A_15, %dma_wait3A_55] : memref<10112x128xf32, #tpu.memory_space<vmem_shared>> -> memref<79x128xf32, #tpu.memory_space<vmem_shared>>
        %dma_wait3A_57 = arith.constant 0 : i32
        %dma_wait3A_58 = arith.constant 0 : i32
        %dma_wait3A_59 = tpu.memref_slice %arg10[%dma_wait3A_57, %dma_wait3A_58] : memref<80x128xf32, #tpu.memory_space<vmem>> -> memref<79x128xf32, #tpu.memory_space<vmem>>
        tpu.wait_dma2 semaphore(%run_scoped3A_41 : memref<!tpu.dma_semaphore, #tpu.memory_space<semaphore_mem>>) src(%dma_wait3A_59 : memref<79x128xf32, #tpu.memory_space<vmem>>) dst(%dma_wait3A_56 : memref<79x128xf32, #tpu.memory_space<vmem_shared>>)
        tpu.yield
      }) : () -> ()
      %add3A_16 = arith.constant 158 : i32
      %add3A_17 = arith.addi %mul3A_2, %add3A_16 : i32
      "tpu.region"() ({
        %run_scoped3A_41 = tpu.sem_alloc : memref<!tpu.dma_semaphore, #tpu.memory_space<semaphore_mem>>
        %dma_start3A = arith.constant 0 : i32
        %dma_start3A_42 = arith.constant 0 : i32
        %dma_start3A_43 = tpu.memref_slice %arg10[%dma_start3A, %dma_start3A_42] : memref<80x128xf32, #tpu.memory_space<vmem>> -> memref<79x128xf32, #tpu.memory_space<vmem>>
        %dma_start3A_44 = arith.constant 0 : i32
        %dma_start3A_45 = tpu.memref_slice %arg11[%add3A_17, %dma_start3A_44] : memref<10112x128xf32, #tpu.memory_space<vmem_shared>> -> memref<79x128xf32, #tpu.memory_space<vmem_shared>>
        %dma_start3A_46 = arith.constant 0 : i32
        %dma_start3A_47 = tpu.memref_slice %arg11[%add3A_17, %dma_start3A_46] : memref<10112x128xf32, #tpu.memory_space<vmem_shared>> -> memref<79x128xf32, #tpu.memory_space<vmem_shared>>
        %dma_start3A_48 = arith.constant 0 : i32
        %dma_start3A_49 = arith.constant 0 : i32
        %dma_start3A_50 = tpu.memref_slice %arg10[%dma_start3A_48, %dma_start3A_49] : memref<80x128xf32, #tpu.memory_space<vmem>> -> memref<79x128xf32, #tpu.memory_space<vmem>>
        tpu.enqueue_dma source(%dma_start3A_50 : memref<79x128xf32, #tpu.memory_space<vmem>>) target(%dma_start3A_47 : memref<79x128xf32, #tpu.memory_space<vmem_shared>>) target_semaphore(%run_scoped3A_41 : memref<!tpu.dma_semaphore, #tpu.memory_space<semaphore_mem>>)
        %dma_wait3A = arith.constant 0 : i32
        %dma_wait3A_51 = arith.constant 0 : i32
        %dma_wait3A_52 = tpu.memref_slice %arg10[%dma_wait3A, %dma_wait3A_51] : memref<80x128xf32, #tpu.memory_space<vmem>> -> memref<79x128xf32, #tpu.memory_space<vmem>>
        %dma_wait3A_53 = arith.constant 0 : i32
        %dma_wait3A_54 = tpu.memref_slice %arg11[%add3A_17, %dma_wait3A_53] : memref<10112x128xf32, #tpu.memory_space<vmem_shared>> -> memref<79x128xf32, #tpu.memory_space<vmem_shared>>
        %dma_wait3A_55 = arith.constant 0 : i32
        %dma_wait3A_56 = tpu.memref_slice %arg11[%add3A_17, %dma_wait3A_55] : memref<10112x128xf32, #tpu.memory_space<vmem_shared>> -> memref<79x128xf32, #tpu.memory_space<vmem_shared>>
        %dma_wait3A_57 = arith.constant 0 : i32
        %dma_wait3A_58 = arith.constant 0 : i32
        %dma_wait3A_59 = tpu.memref_slice %arg10[%dma_wait3A_57, %dma_wait3A_58] : memref<80x128xf32, #tpu.memory_space<vmem>> -> memref<79x128xf32, #tpu.memory_space<vmem>>
        tpu.wait_dma2 semaphore(%run_scoped3A_41 : memref<!tpu.dma_semaphore, #tpu.memory_space<semaphore_mem>>) src(%dma_wait3A_59 : memref<79x128xf32, #tpu.memory_space<vmem>>) dst(%dma_wait3A_56 : memref<79x128xf32, #tpu.memory_space<vmem_shared>>)
        tpu.yield
      }) : () -> ()
      %add3A_18 = arith.constant 237 : i32
      %add3A_19 = arith.addi %mul3A_2, %add3A_18 : i32
      "tpu.region"() ({
        %run_scoped3A_41 = tpu.sem_alloc : memref<!tpu.dma_semaphore, #tpu.memory_space<semaphore_mem>>
        %dma_start3A = arith.constant 0 : i32
        %dma_start3A_42 = arith.constant 0 : i32
        %dma_start3A_43 = tpu.memref_slice %arg10[%dma_start3A, %dma_start3A_42] : memref<80x128xf32, #tpu.memory_space<vmem>> -> memref<79x128xf32, #tpu.memory_space<vmem>>
        %dma_start3A_44 = arith.constant 0 : i32
        %dma_start3A_45 = tpu.memref_slice %arg11[%add3A_19, %dma_start3A_44] : memref<10112x128xf32, #tpu.memory_space<vmem_shared>> -> memref<79x128xf32, #tpu.memory_space<vmem_shared>>
        %dma_start3A_46 = arith.constant 0 : i32
        %dma_start3A_47 = tpu.memref_slice %arg11[%add3A_19, %dma_start3A_46] : memref<10112x128xf32, #tpu.memory_space<vmem_shared>> -> memref<79x128xf32, #tpu.memory_space<vmem_shared>>
        %dma_start3A_48 = arith.constant 0 : i32
        %dma_start3A_49 = arith.constant 0 : i32
        %dma_start3A_50 = tpu.memref_slice %arg10[%dma_start3A_48, %dma_start3A_49] : memref<80x128xf32, #tpu.memory_space<vmem>> -> memref<79x128xf32, #tpu.memory_space<vmem>>
        tpu.enqueue_dma source(%dma_start3A_50 : memref<79x128xf32, #tpu.memory_space<vmem>>) target(%dma_start3A_47 : memref<79x128xf32, #tpu.memory_space<vmem_shared>>) target_semaphore(%run_scoped3A_41 : memref<!tpu.dma_semaphore, #tpu.memory_space<semaphore_mem>>)
        %dma_wait3A = arith.constant 0 : i32
        %dma_wait3A_51 = arith.constant 0 : i32
        %dma_wait3A_52 = tpu.memref_slice %arg10[%dma_wait3A, %dma_wait3A_51] : memref<80x128xf32, #tpu.memory_space<vmem>> -> memref<79x128xf32, #tpu.memory_space<vmem>>
        %dma_wait3A_53 = arith.constant 0 : i32
        %dma_wait3A_54 = tpu.memref_slice %arg11[%add3A_19, %dma_wait3A_53] : memref<10112x128xf32, #tpu.memory_space<vmem_shared>> -> memref<79x128xf32, #tpu.memory_space<vmem_shared>>
        %dma_wait3A_55 = arith.constant 0 : i32
        %dma_wait3A_56 = tpu.memref_slice %arg11[%add3A_19, %dma_wait3A_55] : memref<10112x128xf32, #tpu.memory_space<vmem_shared>> -> memref<79x128xf32, #tpu.memory_space<vmem_shared>>
        %dma_wait3A_57 = arith.constant 0 : i32
        %dma_wait3A_58 = arith.constant 0 : i32
        %dma_wait3A_59 = tpu.memref_slice %arg10[%dma_wait3A_57, %dma_wait3A_58] : memref<80x128xf32, #tpu.memory_space<vmem>> -> memref<79x128xf32, #tpu.memory_space<vmem>>
        tpu.wait_dma2 semaphore(%run_scoped3A_41 : memref<!tpu.dma_semaphore, #tpu.memory_space<semaphore_mem>>) src(%dma_wait3A_59 : memref<79x128xf32, #tpu.memory_space<vmem>>) dst(%dma_wait3A_56 : memref<79x128xf32, #tpu.memory_space<vmem_shared>>)
        tpu.yield
      }) : () -> ()
      %add3A_20 = arith.constant 316 : i32
      %add3A_21 = arith.addi %mul3A_2, %add3A_20 : i32
      "tpu.region"() ({
        %run_scoped3A_41 = tpu.sem_alloc : memref<!tpu.dma_semaphore, #tpu.memory_space<semaphore_mem>>
        %dma_start3A = arith.constant 0 : i32
        %dma_start3A_42 = arith.constant 0 : i32
        %dma_start3A_43 = tpu.memref_slice %arg10[%dma_start3A, %dma_start3A_42] : memref<80x128xf32, #tpu.memory_space<vmem>> -> memref<79x128xf32, #tpu.memory_space<vmem>>
        %dma_start3A_44 = arith.constant 0 : i32
        %dma_start3A_45 = tpu.memref_slice %arg11[%add3A_21, %dma_start3A_44] : memref<10112x128xf32, #tpu.memory_space<vmem_shared>> -> memref<79x128xf32, #tpu.memory_space<vmem_shared>>
        %dma_start3A_46 = arith.constant 0 : i32
        %dma_start3A_47 = tpu.memref_slice %arg11[%add3A_21, %dma_start3A_46] : memref<10112x128xf32, #tpu.memory_space<vmem_shared>> -> memref<79x128xf32, #tpu.memory_space<vmem_shared>>
        %dma_start3A_48 = arith.constant 0 : i32
        %dma_start3A_49 = arith.constant 0 : i32
        %dma_start3A_50 = tpu.memref_slice %arg10[%dma_start3A_48, %dma_start3A_49] : memref<80x128xf32, #tpu.memory_space<vmem>> -> memref<79x128xf32, #tpu.memory_space<vmem>>
        tpu.enqueue_dma source(%dma_start3A_50 : memref<79x128xf32, #tpu.memory_space<vmem>>) target(%dma_start3A_47 : memref<79x128xf32, #tpu.memory_space<vmem_shared>>) target_semaphore(%run_scoped3A_41 : memref<!tpu.dma_semaphore, #tpu.memory_space<semaphore_mem>>)
        %dma_wait3A = arith.constant 0 : i32
        %dma_wait3A_51 = arith.constant 0 : i32
        %dma_wait3A_52 = tpu.memref_slice %arg10[%dma_wait3A, %dma_wait3A_51] : memref<80x128xf32, #tpu.memory_space<vmem>> -> memref<79x128xf32, #tpu.memory_space<vmem>>
        %dma_wait3A_53 = arith.constant 0 : i32
        %dma_wait3A_54 = tpu.memref_slice %arg11[%add3A_21, %dma_wait3A_53] : memref<10112x128xf32, #tpu.memory_space<vmem_shared>> -> memref<79x128xf32, #tpu.memory_space<vmem_shared>>
        %dma_wait3A_55 = arith.constant 0 : i32
        %dma_wait3A_56 = tpu.memref_slice %arg11[%add3A_21, %dma_wait3A_55] : memref<10112x128xf32, #tpu.memory_space<vmem_shared>> -> memref<79x128xf32, #tpu.memory_space<vmem_shared>>
        %dma_wait3A_57 = arith.constant 0 : i32
        %dma_wait3A_58 = arith.constant 0 : i32
        %dma_wait3A_59 = tpu.memref_slice %arg10[%dma_wait3A_57, %dma_wait3A_58] : memref<80x128xf32, #tpu.memory_space<vmem>> -> memref<79x128xf32, #tpu.memory_space<vmem>>
        tpu.wait_dma2 semaphore(%run_scoped3A_41 : memref<!tpu.dma_semaphore, #tpu.memory_space<semaphore_mem>>) src(%dma_wait3A_59 : memref<79x128xf32, #tpu.memory_space<vmem>>) dst(%dma_wait3A_56 : memref<79x128xf32, #tpu.memory_space<vmem_shared>>)
        tpu.yield
      }) : () -> ()
      %add3A_22 = arith.constant 395 : i32
      %add3A_23 = arith.addi %mul3A_2, %add3A_22 : i32
      "tpu.region"() ({
        %run_scoped3A_41 = tpu.sem_alloc : memref<!tpu.dma_semaphore, #tpu.memory_space<semaphore_mem>>
        %dma_start3A = arith.constant 0 : i32
        %dma_start3A_42 = arith.constant 0 : i32
        %dma_start3A_43 = tpu.memref_slice %arg10[%dma_start3A, %dma_start3A_42] : memref<80x128xf32, #tpu.memory_space<vmem>> -> memref<79x128xf32, #tpu.memory_space<vmem>>
        %dma_start3A_44 = arith.constant 0 : i32
        %dma_start3A_45 = tpu.memref_slice %arg11[%add3A_23, %dma_start3A_44] : memref<10112x128xf32, #tpu.memory_space<vmem_shared>> -> memref<79x128xf32, #tpu.memory_space<vmem_shared>>
        %dma_start3A_46 = arith.constant 0 : i32
        %dma_start3A_47 = tpu.memref_slice %arg11[%add3A_23, %dma_start3A_46] : memref<10112x128xf32, #tpu.memory_space<vmem_shared>> -> memref<79x128xf32, #tpu.memory_space<vmem_shared>>
        %dma_start3A_48 = arith.constant 0 : i32
        %dma_start3A_49 = arith.constant 0 : i32
        %dma_start3A_50 = tpu.memref_slice %arg10[%dma_start3A_48, %dma_start3A_49] : memref<80x128xf32, #tpu.memory_space<vmem>> -> memref<79x128xf32, #tpu.memory_space<vmem>>
        tpu.enqueue_dma source(%dma_start3A_50 : memref<79x128xf32, #tpu.memory_space<vmem>>) target(%dma_start3A_47 : memref<79x128xf32, #tpu.memory_space<vmem_shared>>) target_semaphore(%run_scoped3A_41 : memref<!tpu.dma_semaphore, #tpu.memory_space<semaphore_mem>>)
        %dma_wait3A = arith.constant 0 : i32
        %dma_wait3A_51 = arith.constant 0 : i32
        %dma_wait3A_52 = tpu.memref_slice %arg10[%dma_wait3A, %dma_wait3A_51] : memref<80x128xf32, #tpu.memory_space<vmem>> -> memref<79x128xf32, #tpu.memory_space<vmem>>
        %dma_wait3A_53 = arith.constant 0 : i32
        %dma_wait3A_54 = tpu.memref_slice %arg11[%add3A_23, %dma_wait3A_53] : memref<10112x128xf32, #tpu.memory_space<vmem_shared>> -> memref<79x128xf32, #tpu.memory_space<vmem_shared>>
        %dma_wait3A_55 = arith.constant 0 : i32
        %dma_wait3A_56 = tpu.memref_slice %arg11[%add3A_23, %dma_wait3A_55] : memref<10112x128xf32, #tpu.memory_space<vmem_shared>> -> memref<79x128xf32, #tpu.memory_space<vmem_shared>>
        %dma_wait3A_57 = arith.constant 0 : i32
        %dma_wait3A_58 = arith.constant 0 : i32
        %dma_wait3A_59 = tpu.memref_slice %arg10[%dma_wait3A_57, %dma_wait3A_58] : memref<80x128xf32, #tpu.memory_space<vmem>> -> memref<79x128xf32, #tpu.memory_space<vmem>>
        tpu.wait_dma2 semaphore(%run_scoped3A_41 : memref<!tpu.dma_semaphore, #tpu.memory_space<semaphore_mem>>) src(%dma_wait3A_59 : memref<79x128xf32, #tpu.memory_space<vmem>>) dst(%dma_wait3A_56 : memref<79x128xf32, #tpu.memory_space<vmem_shared>>)
        tpu.yield
      }) : () -> ()
      %add3A_24 = arith.constant 474 : i32
      %add3A_25 = arith.addi %mul3A_2, %add3A_24 : i32
      "tpu.region"() ({
        %run_scoped3A_41 = tpu.sem_alloc : memref<!tpu.dma_semaphore, #tpu.memory_space<semaphore_mem>>
        %dma_start3A = arith.constant 0 : i32
        %dma_start3A_42 = arith.constant 0 : i32
        %dma_start3A_43 = tpu.memref_slice %arg10[%dma_start3A, %dma_start3A_42] : memref<80x128xf32, #tpu.memory_space<vmem>> -> memref<79x128xf32, #tpu.memory_space<vmem>>
        %dma_start3A_44 = arith.constant 0 : i32
        %dma_start3A_45 = tpu.memref_slice %arg11[%add3A_25, %dma_start3A_44] : memref<10112x128xf32, #tpu.memory_space<vmem_shared>> -> memref<79x128xf32, #tpu.memory_space<vmem_shared>>
        %dma_start3A_46 = arith.constant 0 : i32
        %dma_start3A_47 = tpu.memref_slice %arg11[%add3A_25, %dma_start3A_46] : memref<10112x128xf32, #tpu.memory_space<vmem_shared>> -> memref<79x128xf32, #tpu.memory_space<vmem_shared>>
        %dma_start3A_48 = arith.constant 0 : i32
        %dma_start3A_49 = arith.constant 0 : i32
        %dma_start3A_50 = tpu.memref_slice %arg10[%dma_start3A_48, %dma_start3A_49] : memref<80x128xf32, #tpu.memory_space<vmem>> -> memref<79x128xf32, #tpu.memory_space<vmem>>
        tpu.enqueue_dma source(%dma_start3A_50 : memref<79x128xf32, #tpu.memory_space<vmem>>) target(%dma_start3A_47 : memref<79x128xf32, #tpu.memory_space<vmem_shared>>) target_semaphore(%run_scoped3A_41 : memref<!tpu.dma_semaphore, #tpu.memory_space<semaphore_mem>>)
        %dma_wait3A = arith.constant 0 : i32
        %dma_wait3A_51 = arith.constant 0 : i32
        %dma_wait3A_52 = tpu.memref_slice %arg10[%dma_wait3A, %dma_wait3A_51] : memref<80x128xf32, #tpu.memory_space<vmem>> -> memref<79x128xf32, #tpu.memory_space<vmem>>
        %dma_wait3A_53 = arith.constant 0 : i32
        %dma_wait3A_54 = tpu.memref_slice %arg11[%add3A_25, %dma_wait3A_53] : memref<10112x128xf32, #tpu.memory_space<vmem_shared>> -> memref<79x128xf32, #tpu.memory_space<vmem_shared>>
        %dma_wait3A_55 = arith.constant 0 : i32
        %dma_wait3A_56 = tpu.memref_slice %arg11[%add3A_25, %dma_wait3A_55] : memref<10112x128xf32, #tpu.memory_space<vmem_shared>> -> memref<79x128xf32, #tpu.memory_space<vmem_shared>>
        %dma_wait3A_57 = arith.constant 0 : i32
        %dma_wait3A_58 = arith.constant 0 : i32
        %dma_wait3A_59 = tpu.memref_slice %arg10[%dma_wait3A_57, %dma_wait3A_58] : memref<80x128xf32, #tpu.memory_space<vmem>> -> memref<79x128xf32, #tpu.memory_space<vmem>>
        tpu.wait_dma2 semaphore(%run_scoped3A_41 : memref<!tpu.dma_semaphore, #tpu.memory_space<semaphore_mem>>) src(%dma_wait3A_59 : memref<79x128xf32, #tpu.memory_space<vmem>>) dst(%dma_wait3A_56 : memref<79x128xf32, #tpu.memory_space<vmem_shared>>)
        tpu.yield
      }) : () -> ()
      %add3A_26 = arith.constant 553 : i32
      %add3A_27 = arith.addi %mul3A_2, %add3A_26 : i32
      "tpu.region"() ({
        %run_scoped3A_41 = tpu.sem_alloc : memref<!tpu.dma_semaphore, #tpu.memory_space<semaphore_mem>>
        %dma_start3A = arith.constant 0 : i32
        %dma_start3A_42 = arith.constant 0 : i32
        %dma_start3A_43 = tpu.memref_slice %arg10[%dma_start3A, %dma_start3A_42] : memref<80x128xf32, #tpu.memory_space<vmem>> -> memref<79x128xf32, #tpu.memory_space<vmem>>
        %dma_start3A_44 = arith.constant 0 : i32
        %dma_start3A_45 = tpu.memref_slice %arg11[%add3A_27, %dma_start3A_44] : memref<10112x128xf32, #tpu.memory_space<vmem_shared>> -> memref<79x128xf32, #tpu.memory_space<vmem_shared>>
        %dma_start3A_46 = arith.constant 0 : i32
        %dma_start3A_47 = tpu.memref_slice %arg11[%add3A_27, %dma_start3A_46] : memref<10112x128xf32, #tpu.memory_space<vmem_shared>> -> memref<79x128xf32, #tpu.memory_space<vmem_shared>>
        %dma_start3A_48 = arith.constant 0 : i32
        %dma_start3A_49 = arith.constant 0 : i32
        %dma_start3A_50 = tpu.memref_slice %arg10[%dma_start3A_48, %dma_start3A_49] : memref<80x128xf32, #tpu.memory_space<vmem>> -> memref<79x128xf32, #tpu.memory_space<vmem>>
        tpu.enqueue_dma source(%dma_start3A_50 : memref<79x128xf32, #tpu.memory_space<vmem>>) target(%dma_start3A_47 : memref<79x128xf32, #tpu.memory_space<vmem_shared>>) target_semaphore(%run_scoped3A_41 : memref<!tpu.dma_semaphore, #tpu.memory_space<semaphore_mem>>)
        %dma_wait3A = arith.constant 0 : i32
        %dma_wait3A_51 = arith.constant 0 : i32
        %dma_wait3A_52 = tpu.memref_slice %arg10[%dma_wait3A, %dma_wait3A_51] : memref<80x128xf32, #tpu.memory_space<vmem>> -> memref<79x128xf32, #tpu.memory_space<vmem>>
        %dma_wait3A_53 = arith.constant 0 : i32
        %dma_wait3A_54 = tpu.memref_slice %arg11[%add3A_27, %dma_wait3A_53] : memref<10112x128xf32, #tpu.memory_space<vmem_shared>> -> memref<79x128xf32, #tpu.memory_space<vmem_shared>>
        %dma_wait3A_55 = arith.constant 0 : i32
        %dma_wait3A_56 = tpu.memref_slice %arg11[%add3A_27, %dma_wait3A_55] : memref<10112x128xf32, #tpu.memory_space<vmem_shared>> -> memref<79x128xf32, #tpu.memory_space<vmem_shared>>
        %dma_wait3A_57 = arith.constant 0 : i32
        %dma_wait3A_58 = arith.constant 0 : i32
        %dma_wait3A_59 = tpu.memref_slice %arg10[%dma_wait3A_57, %dma_wait3A_58] : memref<80x128xf32, #tpu.memory_space<vmem>> -> memref<79x128xf32, #tpu.memory_space<vmem>>
        tpu.wait_dma2 semaphore(%run_scoped3A_41 : memref<!tpu.dma_semaphore, #tpu.memory_space<semaphore_mem>>) src(%dma_wait3A_59 : memref<79x128xf32, #tpu.memory_space<vmem>>) dst(%dma_wait3A_56 : memref<79x128xf32, #tpu.memory_space<vmem_shared>>)
        tpu.yield
      }) : () -> ()
      %scan3A_28 = arith.constant 0 : i32
      %scan3A_29 = arith.constant 0 : i32
      %scan3A_30 = arith.constant 80 : i32
      %scan3A_31 = arith.addi %scan3A_29, %scan3A_30 : i32
      %scan3A_32 = arith.constant 1 : i32
      scf.for %scan3A_41 = %scan3A_29 to %scan3A_31 step %scan3A_32  : i32 {
        %broadcast_in_dim3A = arith.constant 1.000000e+00 : f32
        %broadcast_in_dim3A_42 = vector.broadcast %broadcast_in_dim3A : f32 to vector<16xf32>
        %swap3A = arith.index_cast %scan3A_41 : i32 to index
        %swap3A_43 = arith.constant 0 : index
        %swap3A_44 = tpu.vector_load %arg10[%swap3A, %swap3A_43] {strides = array<i32>} : memref<80x128xf32, #tpu.memory_space<vmem>>, vector<1x16xf32>,
        %swap3A_45 = vector.shape_cast %swap3A_44 : vector<1x16xf32> to vector<16xf32>
        %swap3A_46 = vector.shape_cast %broadcast_in_dim3A_42 : vector<16xf32> to vector<1x16xf32>
        tpu.vector_store %arg10[%swap3A, %swap3A_43], %swap3A_46 {strides = array<i32>} : memref<80x128xf32, #tpu.memory_space<vmem>>, vector<1x16xf32>,
        %broadcast_in_dim3A_47 = arith.constant 1.000000e+00 : f32
        %broadcast_in_dim3A_48 = vector.broadcast %broadcast_in_dim3A_47 : f32 to vector<16xf32>
        %swap3A_49 = arith.index_cast %scan3A_41 : i32 to index
        %swap3A_50 = arith.constant 16 : index
        %swap3A_51 = tpu.vector_load %arg10[%swap3A_49, %swap3A_50] {strides = array<i32>} : memref<80x128xf32, #tpu.memory_space<vmem>>, vector<1x16xf32>,
        %swap3A_52 = vector.shape_cast %swap3A_51 : vector<1x16xf32> to vector<16xf32>
        %swap3A_53 = vector.shape_cast %broadcast_in_dim3A_48 : vector<16xf32> to vector<1x16xf32>
        tpu.vector_store %arg10[%swap3A_49, %swap3A_50], %swap3A_53 {strides = array<i32>} : memref<80x128xf32, #tpu.memory_space<vmem>>, vector<1x16xf32>,
        %broadcast_in_dim3A_54 = arith.constant 1.000000e+00 : f32
        %broadcast_in_dim3A_55 = vector.broadcast %broadcast_in_dim3A_54 : f32 to vector<16xf32>
        %swap3A_56 = arith.index_cast %scan3A_41 : i32 to index
        %swap3A_57 = arith.constant 32 : index
        %swap3A_58 = tpu.vector_load %arg10[%swap3A_56, %swap3A_57] {strides = array<i32>} : memref<80x128xf32, #tpu.memory_space<vmem>>, vector<1x16xf32>,
        %swap3A_59 = vector.shape_cast %swap3A_58 : vector<1x16xf32> to vector<16xf32>
        %swap3A_60 = vector.shape_cast %broadcast_in_dim3A_55 : vector<16xf32> to vector<1x16xf32>
        tpu.vector_store %arg10[%swap3A_56, %swap3A_57], %swap3A_60 {strides = array<i32>} : memref<80x128xf32, #tpu.memory_space<vmem>>, vector<1x16xf32>,
        %broadcast_in_dim3A_61 = arith.constant 1.000000e+00 : f32
        %broadcast_in_dim3A_62 = vector.broadcast %broadcast_in_dim3A_61 : f32 to vector<16xf32>
        %swap3A_63 = arith.index_cast %scan3A_41 : i32 to index
        %swap3A_64 = arith.constant 48 : index
        %swap3A_65 = tpu.vector_load %arg10[%swap3A_63, %swap3A_64] {strides = array<i32>} : memref<80x128xf32, #tpu.memory_space<vmem>>, vector<1x16xf32>,
        %swap3A_66 = vector.shape_cast %swap3A_65 : vector<1x16xf32> to vector<16xf32>
        %swap3A_67 = vector.shape_cast %broadcast_in_dim3A_62 : vector<16xf32> to vector<1x16xf32>
        tpu.vector_store %arg10[%swap3A_63, %swap3A_64], %swap3A_67 {strides = array<i32>} : memref<80x128xf32, #tpu.memory_space<vmem>>, vector<1x16xf32>,
        %broadcast_in_dim3A_68 = arith.constant 1.000000e+00 : f32
        %broadcast_in_dim3A_69 = vector.broadcast %broadcast_in_dim3A_68 : f32 to vector<16xf32>
        %swap3A_70 = arith.index_cast %scan3A_41 : i32 to index
        %swap3A_71 = arith.constant 64 : index
        %swap3A_72 = tpu.vector_load %arg10[%swap3A_70, %swap3A_71] {strides = array<i32>} : memref<80x128xf32, #tpu.memory_space<vmem>>, vector<1x16xf32>,
        %swap3A_73 = vector.shape_cast %swap3A_72 : vector<1x16xf32> to vector<16xf32>
        %swap3A_74 = vector.shape_cast %broadcast_in_dim3A_69 : vector<16xf32> to vector<1x16xf32>
        tpu.vector_store %arg10[%swap3A_70, %swap3A_71], %swap3A_74 {strides = array<i32>} : memref<80x128xf32, #tpu.memory_space<vmem>>, vector<1x16xf32>,
        %broadcast_in_dim3A_75 = arith.constant 1.000000e+00 : f32
        %broadcast_in_dim3A_76 = vector.broadcast %broadcast_in_dim3A_75 : f32 to vector<16xf32>
        %swap3A_77 = arith.index_cast %scan3A_41 : i32 to index
        %swap3A_78 = arith.constant 80 : index
        %swap3A_79 = tpu.vector_load %arg10[%swap3A_77, %swap3A_78] {strides = array<i32>} : memref<80x128xf32, #tpu.memory_space<vmem>>, vector<1x16xf32>,
        %swap3A_80 = vector.shape_cast %swap3A_79 : vector<1x16xf32> to vector<16xf32>
        %swap3A_81 = vector.shape_cast %broadcast_in_dim3A_76 : vector<16xf32> to vector<1x16xf32>
        tpu.vector_store %arg10[%swap3A_77, %swap3A_78], %swap3A_81 {strides = array<i32>} : memref<80x128xf32, #tpu.memory_space<vmem>>, vector<1x16xf32>,
        %broadcast_in_dim3A_82 = arith.constant 1.000000e+00 : f32
        %broadcast_in_dim3A_83 = vector.broadcast %broadcast_in_dim3A_82 : f32 to vector<16xf32>
        %swap3A_84 = arith.index_cast %scan3A_41 : i32 to index
        %swap3A_85 = arith.constant 96 : index
        %swap3A_86 = tpu.vector_load %arg10[%swap3A_84, %swap3A_85] {strides = array<i32>} : memref<80x128xf32, #tpu.memory_space<vmem>>, vector<1x16xf32>,
        %swap3A_87 = vector.shape_cast %swap3A_86 : vector<1x16xf32> to vector<16xf32>
        %swap3A_88 = vector.shape_cast %broadcast_in_dim3A_83 : vector<16xf32> to vector<1x16xf32>
        tpu.vector_store %arg10[%swap3A_84, %swap3A_85], %swap3A_88 {strides = array<i32>} : memref<80x128xf32, #tpu.memory_space<vmem>>, vector<1x16xf32>,
        %broadcast_in_dim3A_89 = arith.constant 1.000000e+00 : f32
        %broadcast_in_dim3A_90 = vector.broadcast %broadcast_in_dim3A_89 : f32 to vector<16xf32>
        %swap3A_91 = arith.index_cast %scan3A_41 : i32 to index
        %swap3A_92 = arith.constant 112 : index
        %swap3A_93 = tpu.vector_load %arg10[%swap3A_91, %swap3A_92] {strides = array<i32>} : memref<80x128xf32, #tpu.memory_space<vmem>>, vector<1x16xf32>,
        %swap3A_94 = vector.shape_cast %swap3A_93 : vector<1x16xf32> to vector<16xf32>
        %swap3A_95 = vector.shape_cast %broadcast_in_dim3A_90 : vector<16xf32> to vector<1x16xf32>
        tpu.vector_store %arg10[%swap3A_91, %swap3A_92], %swap3A_95 {strides = array<i32>} : memref<80x128xf32, #tpu.memory_space<vmem>>, vector<1x16xf32>,
      }
      %scan3A_33 = arith.constant 80 : i32
      %barrier3A = arith.constant 0 : index
      tpu.barrier barrier_id(%barrier3A)
      %scan3A_34 = arith.constant 0 : i32
      %scan3A_35 = arith.constant 0 : i32
      %scan3A_36 = arith.constant 125 : i32
      %scan3A_37 = arith.addi %scan3A_35, %scan3A_36 : i32
      %scan3A_38 = arith.constant 1 : i32
      scf.for %scan3A_41 = %scan3A_35 to %scan3A_37 step %scan3A_38  : i32 {
        "tpu.region"() ({
          %run_scoped3A_42 = tpu.sem_alloc : memref<!tpu.dma_semaphore, #tpu.memory_space<semaphore_mem>>
          %dma_start3A = arith.constant 0 : i32
          %dma_start3A_43 = tpu.memref_slice %arg9[%scan3A_41, %dma_start3A] : memref<125x80xi32, #tpu.memory_space<vmem>> -> memref<1x80xi32, #tpu.memory_space<vmem>>
          %dma_start3A_44 = tpu.memref_squeeze %dma_start3A_43 : memref<1x80xi32, #tpu.memory_space<vmem>> -> memref<80xi32, #tpu.memory_space<vmem>>
          %dma_start3A_45 = arith.constant 0 : i32
          %dma_start3A_46 = arith.constant 0 : i32
          %dma_start3A_47 = tpu.memref_slice %arg11[%dma_start3A_45, %dma_start3A_46] : memref<10112x128xf32, #tpu.memory_space<vmem_shared>> -> memref<10112x128xf32, #tpu.memory_space<vmem_shared>>
          tpu.enqueue_indirect_dma source(%arg10 : memref<80x128xf32, #tpu.memory_space<vmem>>) target(%dma_start3A_47 : memref<10112x128xf32, #tpu.memory_space<vmem_shared>>) offsets(%dma_start3A_44 : memref<80xi32, #tpu.memory_space<vmem>>) semaphore(%run_scoped3A_42 : memref<!tpu.dma_semaphore, #tpu.memory_space<semaphore_mem>>) {add = true}
          %dma_wait3A = arith.constant 0 : i32
          %dma_wait3A_48 = tpu.memref_slice %arg9[%scan3A_41, %dma_wait3A] : memref<125x80xi32, #tpu.memory_space<vmem>> -> memref<1x80xi32, #tpu.memory_space<vmem>>
          %dma_wait3A_49 = tpu.memref_squeeze %dma_wait3A_48 : memref<1x80xi32, #tpu.memory_space<vmem>> -> memref<80xi32, #tpu.memory_space<vmem>>
          %dma_wait3A_50 = arith.constant 0 : i32
          %dma_wait3A_51 = arith.constant 0 : i32
          %dma_wait3A_52 = tpu.memref_slice %arg11[%dma_wait3A_50, %dma_wait3A_51] : memref<10112x128xf32, #tpu.memory_space<vmem_shared>> -> memref<10112x128xf32, #tpu.memory_space<vmem_shared>>
          tpu.wait_indirect_dma semaphore(%run_scoped3A_42 : memref<!tpu.dma_semaphore, #tpu.memory_space<semaphore_mem>>) src(%arg10 : memref<80x128xf32, #tpu.memory_space<vmem>>) dst(%dma_wait3A_52 : memref<10112x128xf32, #tpu.memory_space<vmem_shared>>)
          tpu.yield
        }) : () -> ()
      }
      %scan3A_39 = arith.constant 125 : i32
      %barrier3A_40 = arith.constant 0 : index
      tpu.barrier barrier_id(%barrier3A_40)
      %run_scoped3A = arith.constant 0 : i32
      "tpu.region"() ({
        %run_scoped3A_41 = tpu.sem_alloc : memref<!tpu.dma_semaphore, #tpu.memory_space<semaphore_mem>>
        %dma_start3A = arith.constant 0 : i32
        %dma_start3A_42 = tpu.memref_slice %arg6[%run_scoped3A, %arg0, %mul3A_2, %dma_start3A] : memref<4x2x10112x128xf32, #tpu.memory_space<hbm>> -> memref<1x1x632x128xf32, #tpu.memory_space<hbm>>
        %dma_start3A_43 = tpu.memref_squeeze %dma_start3A_42 : memref<1x1x632x128xf32, #tpu.memory_space<hbm>> -> memref<632x128xf32, #tpu.memory_space<hbm>>
        %dma_start3A_44 = arith.constant 0 : i32
        %dma_start3A_45 = tpu.memref_slice %arg11[%mul3A_2, %dma_start3A_44] : memref<10112x128xf32, #tpu.memory_space<vmem_shared>> -> memref<632x128xf32, #tpu.memory_space<vmem_shared>>
        tpu.enqueue_dma source(%dma_start3A_45 : memref<632x128xf32, #tpu.memory_space<vmem_shared>>) target(%dma_start3A_43 : memref<632x128xf32, #tpu.memory_space<hbm>>) target_semaphore(%run_scoped3A_41 : memref<!tpu.dma_semaphore, #tpu.memory_space<semaphore_mem>>)
        %dma_wait3A = arith.constant 0 : i32
        %dma_wait3A_46 = tpu.memref_slice %arg6[%run_scoped3A, %arg0, %mul3A_2, %dma_wait3A] : memref<4x2x10112x128xf32, #tpu.memory_space<hbm>> -> memref<1x1x632x128xf32, #tpu.memory_space<hbm>>
        %dma_wait3A_47 = tpu.memref_squeeze %dma_wait3A_46 : memref<1x1x632x128xf32, #tpu.memory_space<hbm>> -> memref<632x128xf32, #tpu.memory_space<hbm>>
        %dma_wait3A_48 = arith.constant 0 : i32
        %dma_wait3A_49 = tpu.memref_slice %arg11[%mul3A_2, %dma_wait3A_48] : memref<10112x128xf32, #tpu.memory_space<vmem_shared>> -> memref<632x128xf32, #tpu.memory_space<vmem_shared>>
        tpu.wait_dma2 semaphore(%run_scoped3A_41 : memref<!tpu.dma_semaphore, #tpu.memory_space<semaphore_mem>>) src(%dma_wait3A_49 : memref<632x128xf32, #tpu.memory_space<vmem_shared>>) dst(%dma_wait3A_47 : memref<632x128xf32, #tpu.memory_space<hbm>>)
        tpu.yield
      }) : () -> ()
    } else {
      %scan3A = arith.constant 0 : i32
      %scan3A_7 = arith.constant 0 : i32
      %scan3A_8 = arith.constant 4 : i32
      %scan3A_9 = arith.addi %scan3A_7, %scan3A_8 : i32
      %scan3A_10 = arith.constant 1 : i32
      scf.for %scan3A_12 = %scan3A_7 to %scan3A_9 step %scan3A_10  : i32 {
        %lt3A = arith.cmpi slt, %scan3A_12, %squeeze3A : i32
        %convert_element_type3A_13 = arith.extui %lt3A : i1 to i32
        %cond3A_14 = arith.constant 0 : i32
        %cond3A_15 = arith.cmpi ne, %convert_element_type3A_13, %cond3A_14 : i32
        scf.if %cond3A_15 {
          %scan3A_16 = arith.constant 0 : i32
          %scan3A_17 = arith.constant 0 : i32
          %scan3A_18 = arith.constant 80 : i32
          %scan3A_19 = arith.addi %scan3A_17, %scan3A_18 : i32
          %scan3A_20 = arith.constant 1 : i32
          scf.for %scan3A_45 = %scan3A_17 to %scan3A_19 step %scan3A_20  : i32 {
            %broadcast_in_dim3A = arith.constant 0.000000e+00 : f32
            %broadcast_in_dim3A_46 = vector.broadcast %broadcast_in_dim3A : f32 to vector<16xf32>
            %swap3A = arith.index_cast %scan3A_45 : i32 to index
            %swap3A_47 = arith.constant 0 : index
            %swap3A_48 = tpu.vector_load %arg10[%swap3A, %swap3A_47] {strides = array<i32>} : memref<80x128xf32, #tpu.memory_space<vmem>>, vector<1x16xf32>,
            %swap3A_49 = vector.shape_cast %swap3A_48 : vector<1x16xf32> to vector<16xf32>
            %swap3A_50 = vector.shape_cast %broadcast_in_dim3A_46 : vector<16xf32> to vector<1x16xf32>
            tpu.vector_store %arg10[%swap3A, %swap3A_47], %swap3A_50 {strides = array<i32>} : memref<80x128xf32, #tpu.memory_space<vmem>>, vector<1x16xf32>,
            %broadcast_in_dim3A_51 = arith.constant 0.000000e+00 : f32
            %broadcast_in_dim3A_52 = vector.broadcast %broadcast_in_dim3A_51 : f32 to vector<16xf32>
            %swap3A_53 = arith.index_cast %scan3A_45 : i32 to index
            %swap3A_54 = arith.constant 16 : index
            %swap3A_55 = tpu.vector_load %arg10[%swap3A_53, %swap3A_54] {strides = array<i32>} : memref<80x128xf32, #tpu.memory_space<vmem>>, vector<1x16xf32>,
            %swap3A_56 = vector.shape_cast %swap3A_55 : vector<1x16xf32> to vector<16xf32>
            %swap3A_57 = vector.shape_cast %broadcast_in_dim3A_52 : vector<16xf32> to vector<1x16xf32>
            tpu.vector_store %arg10[%swap3A_53, %swap3A_54], %swap3A_57 {strides = array<i32>} : memref<80x128xf32, #tpu.memory_space<vmem>>, vector<1x16xf32>,
            %broadcast_in_dim3A_58 = arith.constant 0.000000e+00 : f32
            %broadcast_in_dim3A_59 = vector.broadcast %broadcast_in_dim3A_58 : f32 to vector<16xf32>
            %swap3A_60 = arith.index_cast %scan3A_45 : i32 to index
            %swap3A_61 = arith.constant 32 : index
            %swap3A_62 = tpu.vector_load %arg10[%swap3A_60, %swap3A_61] {strides = array<i32>} : memref<80x128xf32, #tpu.memory_space<vmem>>, vector<1x16xf32>,
            %swap3A_63 = vector.shape_cast %swap3A_62 : vector<1x16xf32> to vector<16xf32>
            %swap3A_64 = vector.shape_cast %broadcast_in_dim3A_59 : vector<16xf32> to vector<1x16xf32>
            tpu.vector_store %arg10[%swap3A_60, %swap3A_61], %swap3A_64 {strides = array<i32>} : memref<80x128xf32, #tpu.memory_space<vmem>>, vector<1x16xf32>,
            %broadcast_in_dim3A_65 = arith.constant 0.000000e+00 : f32
            %broadcast_in_dim3A_66 = vector.broadcast %broadcast_in_dim3A_65 : f32 to vector<16xf32>
            %swap3A_67 = arith.index_cast %scan3A_45 : i32 to index
            %swap3A_68 = arith.constant 48 : index
            %swap3A_69 = tpu.vector_load %arg10[%swap3A_67, %swap3A_68] {strides = array<i32>} : memref<80x128xf32, #tpu.memory_space<vmem>>, vector<1x16xf32>,
            %swap3A_70 = vector.shape_cast %swap3A_69 : vector<1x16xf32> to vector<16xf32>
            %swap3A_71 = vector.shape_cast %broadcast_in_dim3A_66 : vector<16xf32> to vector<1x16xf32>
            tpu.vector_store %arg10[%swap3A_67, %swap3A_68], %swap3A_71 {strides = array<i32>} : memref<80x128xf32, #tpu.memory_space<vmem>>, vector<1x16xf32>,
            %broadcast_in_dim3A_72 = arith.constant 0.000000e+00 : f32
            %broadcast_in_dim3A_73 = vector.broadcast %broadcast_in_dim3A_72 : f32 to vector<16xf32>
            %swap3A_74 = arith.index_cast %scan3A_45 : i32 to index
            %swap3A_75 = arith.constant 64 : index
            %swap3A_76 = tpu.vector_load %arg10[%swap3A_74, %swap3A_75] {strides = array<i32>} : memref<80x128xf32, #tpu.memory_space<vmem>>, vector<1x16xf32>,
            %swap3A_77 = vector.shape_cast %swap3A_76 : vector<1x16xf32> to vector<16xf32>
            %swap3A_78 = vector.shape_cast %broadcast_in_dim3A_73 : vector<16xf32> to vector<1x16xf32>
            tpu.vector_store %arg10[%swap3A_74, %swap3A_75], %swap3A_78 {strides = array<i32>} : memref<80x128xf32, #tpu.memory_space<vmem>>, vector<1x16xf32>,
            %broadcast_in_dim3A_79 = arith.constant 0.000000e+00 : f32
            %broadcast_in_dim3A_80 = vector.broadcast %broadcast_in_dim3A_79 : f32 to vector<16xf32>
            %swap3A_81 = arith.index_cast %scan3A_45 : i32 to index
            %swap3A_82 = arith.constant 80 : index
            %swap3A_83 = tpu.vector_load %arg10[%swap3A_81, %swap3A_82] {strides = array<i32>} : memref<80x128xf32, #tpu.memory_space<vmem>>, vector<1x16xf32>,
            %swap3A_84 = vector.shape_cast %swap3A_83 : vector<1x16xf32> to vector<16xf32>
            %swap3A_85 = vector.shape_cast %broadcast_in_dim3A_80 : vector<16xf32> to vector<1x16xf32>
            tpu.vector_store %arg10[%swap3A_81, %swap3A_82], %swap3A_85 {strides = array<i32>} : memref<80x128xf32, #tpu.memory_space<vmem>>, vector<1x16xf32>,
            %broadcast_in_dim3A_86 = arith.constant 0.000000e+00 : f32
            %broadcast_in_dim3A_87 = vector.broadcast %broadcast_in_dim3A_86 : f32 to vector<16xf32>
            %swap3A_88 = arith.index_cast %scan3A_45 : i32 to index
            %swap3A_89 = arith.constant 96 : index
            %swap3A_90 = tpu.vector_load %arg10[%swap3A_88, %swap3A_89] {strides = array<i32>} : memref<80x128xf32, #tpu.memory_space<vmem>>, vector<1x16xf32>,
            %swap3A_91 = vector.shape_cast %swap3A_90 : vector<1x16xf32> to vector<16xf32>
            %swap3A_92 = vector.shape_cast %broadcast_in_dim3A_87 : vector<16xf32> to vector<1x16xf32>
            tpu.vector_store %arg10[%swap3A_88, %swap3A_89], %swap3A_92 {strides = array<i32>} : memref<80x128xf32, #tpu.memory_space<vmem>>, vector<1x16xf32>,
            %broadcast_in_dim3A_93 = arith.constant 0.000000e+00 : f32
            %broadcast_in_dim3A_94 = vector.broadcast %broadcast_in_dim3A_93 : f32 to vector<16xf32>
            %swap3A_95 = arith.index_cast %scan3A_45 : i32 to index
            %swap3A_96 = arith.constant 112 : index
            %swap3A_97 = tpu.vector_load %arg10[%swap3A_95, %swap3A_96] {strides = array<i32>} : memref<80x128xf32, #tpu.memory_space<vmem>>, vector<1x16xf32>,
            %swap3A_98 = vector.shape_cast %swap3A_97 : vector<1x16xf32> to vector<16xf32>
            %swap3A_99 = vector.shape_cast %broadcast_in_dim3A_94 : vector<16xf32> to vector<1x16xf32>
            tpu.vector_store %arg10[%swap3A_95, %swap3A_96], %swap3A_99 {strides = array<i32>} : memref<80x128xf32, #tpu.memory_space<vmem>>, vector<1x16xf32>,
          }
          %scan3A_21 = arith.constant 80 : i32
          %add3A_22 = arith.constant 0 : i32
          %add3A_23 = arith.addi %mul3A_2, %add3A_22 : i32
          "tpu.region"() ({
            %run_scoped3A = tpu.sem_alloc : memref<!tpu.dma_semaphore, #tpu.memory_space<semaphore_mem>>
            %dma_start3A = arith.constant 0 : i32
            %dma_start3A_45 = arith.constant 0 : i32
            %dma_start3A_46 = tpu.memref_slice %arg10[%dma_start3A, %dma_start3A_45] : memref<80x128xf32, #tpu.memory_space<vmem>> -> memref<79x128xf32, #tpu.memory_space<vmem>>
            %dma_start3A_47 = arith.constant 0 : i32
            %dma_start3A_48 = tpu.memref_slice %arg11[%add3A_23, %dma_start3A_47] : memref<10112x128xf32, #tpu.memory_space<vmem_shared>> -> memref<79x128xf32, #tpu.memory_space<vmem_shared>>
            %dma_start3A_49 = arith.constant 0 : i32
            %dma_start3A_50 = tpu.memref_slice %arg11[%add3A_23, %dma_start3A_49] : memref<10112x128xf32, #tpu.memory_space<vmem_shared>> -> memref<79x128xf32, #tpu.memory_space<vmem_shared>>
            %dma_start3A_51 = arith.constant 0 : i32
            %dma_start3A_52 = arith.constant 0 : i32
            %dma_start3A_53 = tpu.memref_slice %arg10[%dma_start3A_51, %dma_start3A_52] : memref<80x128xf32, #tpu.memory_space<vmem>> -> memref<79x128xf32, #tpu.memory_space<vmem>>
            tpu.enqueue_dma source(%dma_start3A_53 : memref<79x128xf32, #tpu.memory_space<vmem>>) target(%dma_start3A_50 : memref<79x128xf32, #tpu.memory_space<vmem_shared>>) target_semaphore(%run_scoped3A : memref<!tpu.dma_semaphore, #tpu.memory_space<semaphore_mem>>)
            %dma_wait3A = arith.constant 0 : i32
            %dma_wait3A_54 = arith.constant 0 : i32
            %dma_wait3A_55 = tpu.memref_slice %arg10[%dma_wait3A, %dma_wait3A_54] : memref<80x128xf32, #tpu.memory_space<vmem>> -> memref<79x128xf32, #tpu.memory_space<vmem>>
            %dma_wait3A_56 = arith.constant 0 : i32
            %dma_wait3A_57 = tpu.memref_slice %arg11[%add3A_23, %dma_wait3A_56] : memref<10112x128xf32, #tpu.memory_space<vmem_shared>> -> memref<79x128xf32, #tpu.memory_space<vmem_shared>>
            %dma_wait3A_58 = arith.constant 0 : i32
            %dma_wait3A_59 = tpu.memref_slice %arg11[%add3A_23, %dma_wait3A_58] : memref<10112x128xf32, #tpu.memory_space<vmem_shared>> -> memref<79x128xf32, #tpu.memory_space<vmem_shared>>
            %dma_wait3A_60 = arith.constant 0 : i32
            %dma_wait3A_61 = arith.constant 0 : i32
            %dma_wait3A_62 = tpu.memref_slice %arg10[%dma_wait3A_60, %dma_wait3A_61] : memref<80x128xf32, #tpu.memory_space<vmem>> -> memref<79x128xf32, #tpu.memory_space<vmem>>
            tpu.wait_dma2 semaphore(%run_scoped3A : memref<!tpu.dma_semaphore, #tpu.memory_space<semaphore_mem>>) src(%dma_wait3A_62 : memref<79x128xf32, #tpu.memory_space<vmem>>) dst(%dma_wait3A_59 : memref<79x128xf32, #tpu.memory_space<vmem_shared>>)
            tpu.yield
          }) : () -> ()
          %add3A_24 = arith.constant 79 : i32
          %add3A_25 = arith.addi %mul3A_2, %add3A_24 : i32
          "tpu.region"() ({
            %run_scoped3A = tpu.sem_alloc : memref<!tpu.dma_semaphore, #tpu.memory_space<semaphore_mem>>
            %dma_start3A = arith.constant 0 : i32
            %dma_start3A_45 = arith.constant 0 : i32
            %dma_start3A_46 = tpu.memref_slice %arg10[%dma_start3A, %dma_start3A_45] : memref<80x128xf32, #tpu.memory_space<vmem>> -> memref<79x128xf32, #tpu.memory_space<vmem>>
            %dma_start3A_47 = arith.constant 0 : i32
            %dma_start3A_48 = tpu.memref_slice %arg11[%add3A_25, %dma_start3A_47] : memref<10112x128xf32, #tpu.memory_space<vmem_shared>> -> memref<79x128xf32, #tpu.memory_space<vmem_shared>>
            %dma_start3A_49 = arith.constant 0 : i32
            %dma_start3A_50 = tpu.memref_slice %arg11[%add3A_25, %dma_start3A_49] : memref<10112x128xf32, #tpu.memory_space<vmem_shared>> -> memref<79x128xf32, #tpu.memory_space<vmem_shared>>
            %dma_start3A_51 = arith.constant 0 : i32
            %dma_start3A_52 = arith.constant 0 : i32
            %dma_start3A_53 = tpu.memref_slice %arg10[%dma_start3A_51, %dma_start3A_52] : memref<80x128xf32, #tpu.memory_space<vmem>> -> memref<79x128xf32, #tpu.memory_space<vmem>>
            tpu.enqueue_dma source(%dma_start3A_53 : memref<79x128xf32, #tpu.memory_space<vmem>>) target(%dma_start3A_50 : memref<79x128xf32, #tpu.memory_space<vmem_shared>>) target_semaphore(%run_scoped3A : memref<!tpu.dma_semaphore, #tpu.memory_space<semaphore_mem>>)
            %dma_wait3A = arith.constant 0 : i32
            %dma_wait3A_54 = arith.constant 0 : i32
            %dma_wait3A_55 = tpu.memref_slice %arg10[%dma_wait3A, %dma_wait3A_54] : memref<80x128xf32, #tpu.memory_space<vmem>> -> memref<79x128xf32, #tpu.memory_space<vmem>>
            %dma_wait3A_56 = arith.constant 0 : i32
            %dma_wait3A_57 = tpu.memref_slice %arg11[%add3A_25, %dma_wait3A_56] : memref<10112x128xf32, #tpu.memory_space<vmem_shared>> -> memref<79x128xf32, #tpu.memory_space<vmem_shared>>
            %dma_wait3A_58 = arith.constant 0 : i32
            %dma_wait3A_59 = tpu.memref_slice %arg11[%add3A_25, %dma_wait3A_58] : memref<10112x128xf32, #tpu.memory_space<vmem_shared>> -> memref<79x128xf32, #tpu.memory_space<vmem_shared>>
            %dma_wait3A_60 = arith.constant 0 : i32
            %dma_wait3A_61 = arith.constant 0 : i32
            %dma_wait3A_62 = tpu.memref_slice %arg10[%dma_wait3A_60, %dma_wait3A_61] : memref<80x128xf32, #tpu.memory_space<vmem>> -> memref<79x128xf32, #tpu.memory_space<vmem>>
            tpu.wait_dma2 semaphore(%run_scoped3A : memref<!tpu.dma_semaphore, #tpu.memory_space<semaphore_mem>>) src(%dma_wait3A_62 : memref<79x128xf32, #tpu.memory_space<vmem>>) dst(%dma_wait3A_59 : memref<79x128xf32, #tpu.memory_space<vmem_shared>>)
            tpu.yield
          }) : () -> ()
          %add3A_26 = arith.constant 158 : i32
          %add3A_27 = arith.addi %mul3A_2, %add3A_26 : i32
          "tpu.region"() ({
            %run_scoped3A = tpu.sem_alloc : memref<!tpu.dma_semaphore, #tpu.memory_space<semaphore_mem>>
            %dma_start3A = arith.constant 0 : i32
            %dma_start3A_45 = arith.constant 0 : i32
            %dma_start3A_46 = tpu.memref_slice %arg10[%dma_start3A, %dma_start3A_45] : memref<80x128xf32, #tpu.memory_space<vmem>> -> memref<79x128xf32, #tpu.memory_space<vmem>>
            %dma_start3A_47 = arith.constant 0 : i32
            %dma_start3A_48 = tpu.memref_slice %arg11[%add3A_27, %dma_start3A_47] : memref<10112x128xf32, #tpu.memory_space<vmem_shared>> -> memref<79x128xf32, #tpu.memory_space<vmem_shared>>
            %dma_start3A_49 = arith.constant 0 : i32
            %dma_start3A_50 = tpu.memref_slice %arg11[%add3A_27, %dma_start3A_49] : memref<10112x128xf32, #tpu.memory_space<vmem_shared>> -> memref<79x128xf32, #tpu.memory_space<vmem_shared>>
            %dma_start3A_51 = arith.constant 0 : i32
            %dma_start3A_52 = arith.constant 0 : i32
            %dma_start3A_53 = tpu.memref_slice %arg10[%dma_start3A_51, %dma_start3A_52] : memref<80x128xf32, #tpu.memory_space<vmem>> -> memref<79x128xf32, #tpu.memory_space<vmem>>
            tpu.enqueue_dma source(%dma_start3A_53 : memref<79x128xf32, #tpu.memory_space<vmem>>) target(%dma_start3A_50 : memref<79x128xf32, #tpu.memory_space<vmem_shared>>) target_semaphore(%run_scoped3A : memref<!tpu.dma_semaphore, #tpu.memory_space<semaphore_mem>>)
            %dma_wait3A = arith.constant 0 : i32
            %dma_wait3A_54 = arith.constant 0 : i32
            %dma_wait3A_55 = tpu.memref_slice %arg10[%dma_wait3A, %dma_wait3A_54] : memref<80x128xf32, #tpu.memory_space<vmem>> -> memref<79x128xf32, #tpu.memory_space<vmem>>
            %dma_wait3A_56 = arith.constant 0 : i32
            %dma_wait3A_57 = tpu.memref_slice %arg11[%add3A_27, %dma_wait3A_56] : memref<10112x128xf32, #tpu.memory_space<vmem_shared>> -> memref<79x128xf32, #tpu.memory_space<vmem_shared>>
            %dma_wait3A_58 = arith.constant 0 : i32
            %dma_wait3A_59 = tpu.memref_slice %arg11[%add3A_27, %dma_wait3A_58] : memref<10112x128xf32, #tpu.memory_space<vmem_shared>> -> memref<79x128xf32, #tpu.memory_space<vmem_shared>>
            %dma_wait3A_60 = arith.constant 0 : i32
            %dma_wait3A_61 = arith.constant 0 : i32
            %dma_wait3A_62 = tpu.memref_slice %arg10[%dma_wait3A_60, %dma_wait3A_61] : memref<80x128xf32, #tpu.memory_space<vmem>> -> memref<79x128xf32, #tpu.memory_space<vmem>>
            tpu.wait_dma2 semaphore(%run_scoped3A : memref<!tpu.dma_semaphore, #tpu.memory_space<semaphore_mem>>) src(%dma_wait3A_62 : memref<79x128xf32, #tpu.memory_space<vmem>>) dst(%dma_wait3A_59 : memref<79x128xf32, #tpu.memory_space<vmem_shared>>)
            tpu.yield
          }) : () -> ()
          %add3A_28 = arith.constant 237 : i32
          %add3A_29 = arith.addi %mul3A_2, %add3A_28 : i32
          "tpu.region"() ({
            %run_scoped3A = tpu.sem_alloc : memref<!tpu.dma_semaphore, #tpu.memory_space<semaphore_mem>>
            %dma_start3A = arith.constant 0 : i32
            %dma_start3A_45 = arith.constant 0 : i32
            %dma_start3A_46 = tpu.memref_slice %arg10[%dma_start3A, %dma_start3A_45] : memref<80x128xf32, #tpu.memory_space<vmem>> -> memref<79x128xf32, #tpu.memory_space<vmem>>
            %dma_start3A_47 = arith.constant 0 : i32
            %dma_start3A_48 = tpu.memref_slice %arg11[%add3A_29, %dma_start3A_47] : memref<10112x128xf32, #tpu.memory_space<vmem_shared>> -> memref<79x128xf32, #tpu.memory_space<vmem_shared>>
            %dma_start3A_49 = arith.constant 0 : i32
            %dma_start3A_50 = tpu.memref_slice %arg11[%add3A_29, %dma_start3A_49] : memref<10112x128xf32, #tpu.memory_space<vmem_shared>> -> memref<79x128xf32, #tpu.memory_space<vmem_shared>>
            %dma_start3A_51 = arith.constant 0 : i32
            %dma_start3A_52 = arith.constant 0 : i32
            %dma_start3A_53 = tpu.memref_slice %arg10[%dma_start3A_51, %dma_start3A_52] : memref<80x128xf32, #tpu.memory_space<vmem>> -> memref<79x128xf32, #tpu.memory_space<vmem>>
            tpu.enqueue_dma source(%dma_start3A_53 : memref<79x128xf32, #tpu.memory_space<vmem>>) target(%dma_start3A_50 : memref<79x128xf32, #tpu.memory_space<vmem_shared>>) target_semaphore(%run_scoped3A : memref<!tpu.dma_semaphore, #tpu.memory_space<semaphore_mem>>)
            %dma_wait3A = arith.constant 0 : i32
            %dma_wait3A_54 = arith.constant 0 : i32
            %dma_wait3A_55 = tpu.memref_slice %arg10[%dma_wait3A, %dma_wait3A_54] : memref<80x128xf32, #tpu.memory_space<vmem>> -> memref<79x128xf32, #tpu.memory_space<vmem>>
            %dma_wait3A_56 = arith.constant 0 : i32
            %dma_wait3A_57 = tpu.memref_slice %arg11[%add3A_29, %dma_wait3A_56] : memref<10112x128xf32, #tpu.memory_space<vmem_shared>> -> memref<79x128xf32, #tpu.memory_space<vmem_shared>>
            %dma_wait3A_58 = arith.constant 0 : i32
            %dma_wait3A_59 = tpu.memref_slice %arg11[%add3A_29, %dma_wait3A_58] : memref<10112x128xf32, #tpu.memory_space<vmem_shared>> -> memref<79x128xf32, #tpu.memory_space<vmem_shared>>
            %dma_wait3A_60 = arith.constant 0 : i32
            %dma_wait3A_61 = arith.constant 0 : i32
            %dma_wait3A_62 = tpu.memref_slice %arg10[%dma_wait3A_60, %dma_wait3A_61] : memref<80x128xf32, #tpu.memory_space<vmem>> -> memref<79x128xf32, #tpu.memory_space<vmem>>
            tpu.wait_dma2 semaphore(%run_scoped3A : memref<!tpu.dma_semaphore, #tpu.memory_space<semaphore_mem>>) src(%dma_wait3A_62 : memref<79x128xf32, #tpu.memory_space<vmem>>) dst(%dma_wait3A_59 : memref<79x128xf32, #tpu.memory_space<vmem_shared>>)
            tpu.yield
          }) : () -> ()
          %add3A_30 = arith.constant 316 : i32
          %add3A_31 = arith.addi %mul3A_2, %add3A_30 : i32
          "tpu.region"() ({
            %run_scoped3A = tpu.sem_alloc : memref<!tpu.dma_semaphore, #tpu.memory_space<semaphore_mem>>
            %dma_start3A = arith.constant 0 : i32
            %dma_start3A_45 = arith.constant 0 : i32
            %dma_start3A_46 = tpu.memref_slice %arg10[%dma_start3A, %dma_start3A_45] : memref<80x128xf32, #tpu.memory_space<vmem>> -> memref<79x128xf32, #tpu.memory_space<vmem>>
            %dma_start3A_47 = arith.constant 0 : i32
            %dma_start3A_48 = tpu.memref_slice %arg11[%add3A_31, %dma_start3A_47] : memref<10112x128xf32, #tpu.memory_space<vmem_shared>> -> memref<79x128xf32, #tpu.memory_space<vmem_shared>>
            %dma_start3A_49 = arith.constant 0 : i32
            %dma_start3A_50 = tpu.memref_slice %arg11[%add3A_31, %dma_start3A_49] : memref<10112x128xf32, #tpu.memory_space<vmem_shared>> -> memref<79x128xf32, #tpu.memory_space<vmem_shared>>
            %dma_start3A_51 = arith.constant 0 : i32
            %dma_start3A_52 = arith.constant 0 : i32
            %dma_start3A_53 = tpu.memref_slice %arg10[%dma_start3A_51, %dma_start3A_52] : memref<80x128xf32, #tpu.memory_space<vmem>> -> memref<79x128xf32, #tpu.memory_space<vmem>>
            tpu.enqueue_dma source(%dma_start3A_53 : memref<79x128xf32, #tpu.memory_space<vmem>>) target(%dma_start3A_50 : memref<79x128xf32, #tpu.memory_space<vmem_shared>>) target_semaphore(%run_scoped3A : memref<!tpu.dma_semaphore, #tpu.memory_space<semaphore_mem>>)
            %dma_wait3A = arith.constant 0 : i32
            %dma_wait3A_54 = arith.constant 0 : i32
            %dma_wait3A_55 = tpu.memref_slice %arg10[%dma_wait3A, %dma_wait3A_54] : memref<80x128xf32, #tpu.memory_space<vmem>> -> memref<79x128xf32, #tpu.memory_space<vmem>>
            %dma_wait3A_56 = arith.constant 0 : i32
            %dma_wait3A_57 = tpu.memref_slice %arg11[%add3A_31, %dma_wait3A_56] : memref<10112x128xf32, #tpu.memory_space<vmem_shared>> -> memref<79x128xf32, #tpu.memory_space<vmem_shared>>
            %dma_wait3A_58 = arith.constant 0 : i32
            %dma_wait3A_59 = tpu.memref_slice %arg11[%add3A_31, %dma_wait3A_58] : memref<10112x128xf32, #tpu.memory_space<vmem_shared>> -> memref<79x128xf32, #tpu.memory_space<vmem_shared>>
            %dma_wait3A_60 = arith.constant 0 : i32
            %dma_wait3A_61 = arith.constant 0 : i32
            %dma_wait3A_62 = tpu.memref_slice %arg10[%dma_wait3A_60, %dma_wait3A_61] : memref<80x128xf32, #tpu.memory_space<vmem>> -> memref<79x128xf32, #tpu.memory_space<vmem>>
            tpu.wait_dma2 semaphore(%run_scoped3A : memref<!tpu.dma_semaphore, #tpu.memory_space<semaphore_mem>>) src(%dma_wait3A_62 : memref<79x128xf32, #tpu.memory_space<vmem>>) dst(%dma_wait3A_59 : memref<79x128xf32, #tpu.memory_space<vmem_shared>>)
            tpu.yield
          }) : () -> ()
          %add3A_32 = arith.constant 395 : i32
          %add3A_33 = arith.addi %mul3A_2, %add3A_32 : i32
          "tpu.region"() ({
            %run_scoped3A = tpu.sem_alloc : memref<!tpu.dma_semaphore, #tpu.memory_space<semaphore_mem>>
            %dma_start3A = arith.constant 0 : i32
            %dma_start3A_45 = arith.constant 0 : i32
            %dma_start3A_46 = tpu.memref_slice %arg10[%dma_start3A, %dma_start3A_45] : memref<80x128xf32, #tpu.memory_space<vmem>> -> memref<79x128xf32, #tpu.memory_space<vmem>>
            %dma_start3A_47 = arith.constant 0 : i32
            %dma_start3A_48 = tpu.memref_slice %arg11[%add3A_33, %dma_start3A_47] : memref<10112x128xf32, #tpu.memory_space<vmem_shared>> -> memref<79x128xf32, #tpu.memory_space<vmem_shared>>
            %dma_start3A_49 = arith.constant 0 : i32
            %dma_start3A_50 = tpu.memref_slice %arg11[%add3A_33, %dma_start3A_49] : memref<10112x128xf32, #tpu.memory_space<vmem_shared>> -> memref<79x128xf32, #tpu.memory_space<vmem_shared>>
            %dma_start3A_51 = arith.constant 0 : i32
            %dma_start3A_52 = arith.constant 0 : i32
            %dma_start3A_53 = tpu.memref_slice %arg10[%dma_start3A_51, %dma_start3A_52] : memref<80x128xf32, #tpu.memory_space<vmem>> -> memref<79x128xf32, #tpu.memory_space<vmem>>
            tpu.enqueue_dma source(%dma_start3A_53 : memref<79x128xf32, #tpu.memory_space<vmem>>) target(%dma_start3A_50 : memref<79x128xf32, #tpu.memory_space<vmem_shared>>) target_semaphore(%run_scoped3A : memref<!tpu.dma_semaphore, #tpu.memory_space<semaphore_mem>>)
            %dma_wait3A = arith.constant 0 : i32
            %dma_wait3A_54 = arith.constant 0 : i32
            %dma_wait3A_55 = tpu.memref_slice %arg10[%dma_wait3A, %dma_wait3A_54] : memref<80x128xf32, #tpu.memory_space<vmem>> -> memref<79x128xf32, #tpu.memory_space<vmem>>
            %dma_wait3A_56 = arith.constant 0 : i32
            %dma_wait3A_57 = tpu.memref_slice %arg11[%add3A_33, %dma_wait3A_56] : memref<10112x128xf32, #tpu.memory_space<vmem_shared>> -> memref<79x128xf32, #tpu.memory_space<vmem_shared>>
            %dma_wait3A_58 = arith.constant 0 : i32
            %dma_wait3A_59 = tpu.memref_slice %arg11[%add3A_33, %dma_wait3A_58] : memref<10112x128xf32, #tpu.memory_space<vmem_shared>> -> memref<79x128xf32, #tpu.memory_space<vmem_shared>>
            %dma_wait3A_60 = arith.constant 0 : i32
            %dma_wait3A_61 = arith.constant 0 : i32
            %dma_wait3A_62 = tpu.memref_slice %arg10[%dma_wait3A_60, %dma_wait3A_61] : memref<80x128xf32, #tpu.memory_space<vmem>> -> memref<79x128xf32, #tpu.memory_space<vmem>>
            tpu.wait_dma2 semaphore(%run_scoped3A : memref<!tpu.dma_semaphore, #tpu.memory_space<semaphore_mem>>) src(%dma_wait3A_62 : memref<79x128xf32, #tpu.memory_space<vmem>>) dst(%dma_wait3A_59 : memref<79x128xf32, #tpu.memory_space<vmem_shared>>)
            tpu.yield
          }) : () -> ()
          %add3A_34 = arith.constant 474 : i32
          %add3A_35 = arith.addi %mul3A_2, %add3A_34 : i32
          "tpu.region"() ({
            %run_scoped3A = tpu.sem_alloc : memref<!tpu.dma_semaphore, #tpu.memory_space<semaphore_mem>>
            %dma_start3A = arith.constant 0 : i32
            %dma_start3A_45 = arith.constant 0 : i32
            %dma_start3A_46 = tpu.memref_slice %arg10[%dma_start3A, %dma_start3A_45] : memref<80x128xf32, #tpu.memory_space<vmem>> -> memref<79x128xf32, #tpu.memory_space<vmem>>
            %dma_start3A_47 = arith.constant 0 : i32
            %dma_start3A_48 = tpu.memref_slice %arg11[%add3A_35, %dma_start3A_47] : memref<10112x128xf32, #tpu.memory_space<vmem_shared>> -> memref<79x128xf32, #tpu.memory_space<vmem_shared>>
            %dma_start3A_49 = arith.constant 0 : i32
            %dma_start3A_50 = tpu.memref_slice %arg11[%add3A_35, %dma_start3A_49] : memref<10112x128xf32, #tpu.memory_space<vmem_shared>> -> memref<79x128xf32, #tpu.memory_space<vmem_shared>>
            %dma_start3A_51 = arith.constant 0 : i32
            %dma_start3A_52 = arith.constant 0 : i32
            %dma_start3A_53 = tpu.memref_slice %arg10[%dma_start3A_51, %dma_start3A_52] : memref<80x128xf32, #tpu.memory_space<vmem>> -> memref<79x128xf32, #tpu.memory_space<vmem>>
            tpu.enqueue_dma source(%dma_start3A_53 : memref<79x128xf32, #tpu.memory_space<vmem>>) target(%dma_start3A_50 : memref<79x128xf32, #tpu.memory_space<vmem_shared>>) target_semaphore(%run_scoped3A : memref<!tpu.dma_semaphore, #tpu.memory_space<semaphore_mem>>)
            %dma_wait3A = arith.constant 0 : i32
            %dma_wait3A_54 = arith.constant 0 : i32
            %dma_wait3A_55 = tpu.memref_slice %arg10[%dma_wait3A, %dma_wait3A_54] : memref<80x128xf32, #tpu.memory_space<vmem>> -> memref<79x128xf32, #tpu.memory_space<vmem>>
            %dma_wait3A_56 = arith.constant 0 : i32
            %dma_wait3A_57 = tpu.memref_slice %arg11[%add3A_35, %dma_wait3A_56] : memref<10112x128xf32, #tpu.memory_space<vmem_shared>> -> memref<79x128xf32, #tpu.memory_space<vmem_shared>>
            %dma_wait3A_58 = arith.constant 0 : i32
            %dma_wait3A_59 = tpu.memref_slice %arg11[%add3A_35, %dma_wait3A_58] : memref<10112x128xf32, #tpu.memory_space<vmem_shared>> -> memref<79x128xf32, #tpu.memory_space<vmem_shared>>
            %dma_wait3A_60 = arith.constant 0 : i32
            %dma_wait3A_61 = arith.constant 0 : i32
            %dma_wait3A_62 = tpu.memref_slice %arg10[%dma_wait3A_60, %dma_wait3A_61] : memref<80x128xf32, #tpu.memory_space<vmem>> -> memref<79x128xf32, #tpu.memory_space<vmem>>
            tpu.wait_dma2 semaphore(%run_scoped3A : memref<!tpu.dma_semaphore, #tpu.memory_space<semaphore_mem>>) src(%dma_wait3A_62 : memref<79x128xf32, #tpu.memory_space<vmem>>) dst(%dma_wait3A_59 : memref<79x128xf32, #tpu.memory_space<vmem_shared>>)
            tpu.yield
          }) : () -> ()
          %add3A_36 = arith.constant 553 : i32
          %add3A_37 = arith.addi %mul3A_2, %add3A_36 : i32
          "tpu.region"() ({
            %run_scoped3A = tpu.sem_alloc : memref<!tpu.dma_semaphore, #tpu.memory_space<semaphore_mem>>
            %dma_start3A = arith.constant 0 : i32
            %dma_start3A_45 = arith.constant 0 : i32
            %dma_start3A_46 = tpu.memref_slice %arg10[%dma_start3A, %dma_start3A_45] : memref<80x128xf32, #tpu.memory_space<vmem>> -> memref<79x128xf32, #tpu.memory_space<vmem>>
            %dma_start3A_47 = arith.constant 0 : i32
            %dma_start3A_48 = tpu.memref_slice %arg11[%add3A_37, %dma_start3A_47] : memref<10112x128xf32, #tpu.memory_space<vmem_shared>> -> memref<79x128xf32, #tpu.memory_space<vmem_shared>>
            %dma_start3A_49 = arith.constant 0 : i32
            %dma_start3A_50 = tpu.memref_slice %arg11[%add3A_37, %dma_start3A_49] : memref<10112x128xf32, #tpu.memory_space<vmem_shared>> -> memref<79x128xf32, #tpu.memory_space<vmem_shared>>
            %dma_start3A_51 = arith.constant 0 : i32
            %dma_start3A_52 = arith.constant 0 : i32
            %dma_start3A_53 = tpu.memref_slice %arg10[%dma_start3A_51, %dma_start3A_52] : memref<80x128xf32, #tpu.memory_space<vmem>> -> memref<79x128xf32, #tpu.memory_space<vmem>>
            tpu.enqueue_dma source(%dma_start3A_53 : memref<79x128xf32, #tpu.memory_space<vmem>>) target(%dma_start3A_50 : memref<79x128xf32, #tpu.memory_space<vmem_shared>>) target_semaphore(%run_scoped3A : memref<!tpu.dma_semaphore, #tpu.memory_space<semaphore_mem>>)
            %dma_wait3A = arith.constant 0 : i32
            %dma_wait3A_54 = arith.constant 0 : i32
            %dma_wait3A_55 = tpu.memref_slice %arg10[%dma_wait3A, %dma_wait3A_54] : memref<80x128xf32, #tpu.memory_space<vmem>> -> memref<79x128xf32, #tpu.memory_space<vmem>>
            %dma_wait3A_56 = arith.constant 0 : i32
            %dma_wait3A_57 = tpu.memref_slice %arg11[%add3A_37, %dma_wait3A_56] : memref<10112x128xf32, #tpu.memory_space<vmem_shared>> -> memref<79x128xf32, #tpu.memory_space<vmem_shared>>
            %dma_wait3A_58 = arith.constant 0 : i32
            %dma_wait3A_59 = tpu.memref_slice %arg11[%add3A_37, %dma_wait3A_58] : memref<10112x128xf32, #tpu.memory_space<vmem_shared>> -> memref<79x128xf32, #tpu.memory_space<vmem_shared>>
            %dma_wait3A_60 = arith.constant 0 : i32
            %dma_wait3A_61 = arith.constant 0 : i32
            %dma_wait3A_62 = tpu.memref_slice %arg10[%dma_wait3A_60, %dma_wait3A_61] : memref<80x128xf32, #tpu.memory_space<vmem>> -> memref<79x128xf32, #tpu.memory_space<vmem>>
            tpu.wait_dma2 semaphore(%run_scoped3A : memref<!tpu.dma_semaphore, #tpu.memory_space<semaphore_mem>>) src(%dma_wait3A_62 : memref<79x128xf32, #tpu.memory_space<vmem>>) dst(%dma_wait3A_59 : memref<79x128xf32, #tpu.memory_space<vmem_shared>>)
            tpu.yield
          }) : () -> ()
          %barrier3A = arith.constant 0 : index
          tpu.barrier barrier_id(%barrier3A)
          %scan3A_38 = arith.constant 0 : i32
          %scan3A_39 = arith.constant 0 : i32
          %scan3A_40 = arith.constant 125 : i32
          %scan3A_41 = arith.addi %scan3A_39, %scan3A_40 : i32
          %scan3A_42 = arith.constant 1 : i32
          scf.for %scan3A_45 = %scan3A_39 to %scan3A_41 step %scan3A_42  : i32 {
            %dma_start3A = arith.constant 0 : i32
            %dma_start3A_46 = tpu.memref_slice %arg8[%scan3A_45, %dma_start3A] : memref<125x80xi32, #tpu.memory_space<vmem>> -> memref<1x80xi32, #tpu.memory_space<vmem>>
            %dma_start3A_47 = tpu.memref_squeeze %dma_start3A_46 : memref<1x80xi32, #tpu.memory_space<vmem>> -> memref<80xi32, #tpu.memory_space<vmem>>
            %dma_start3A_48 = arith.constant 0 : i32
            %dma_start3A_49 = arith.constant 0 : i32
            %dma_start3A_50 = tpu.memref_slice %arg2[%scan3A_12, %dma_start3A_48, %dma_start3A_49] : memref<4x10000x128xf32, #tpu.memory_space<hbm>> -> memref<1x10000x128xf32, #tpu.memory_space<hbm>>
            %dma_start3A_51 = tpu.memref_squeeze %dma_start3A_50 : memref<1x10000x128xf32, #tpu.memory_space<hbm>> -> memref<10000x128xf32, #tpu.memory_space<hbm>>
            %dma_start3A_52 = arith.constant 0 : i32
            %dma_start3A_53 = arith.constant 0 : i32
            %dma_start3A_54 = tpu.memref_slice %dma_start3A_51[%dma_start3A_52, %dma_start3A_53] : memref<10000x128xf32, #tpu.memory_space<hbm>> -> memref<10000x128xf32, #tpu.memory_space<hbm>>
            tpu.enqueue_indirect_dma source(%dma_start3A_54 : memref<10000x128xf32, #tpu.memory_space<hbm>>) target(%arg10 : memref<80x128xf32, #tpu.memory_space<vmem>>) offsets(%dma_start3A_47 : memref<80xi32, #tpu.memory_space<vmem>>) semaphore(%arg12 : memref<!tpu.dma_semaphore, #tpu.memory_space<semaphore_mem>>)
            %dma_wait3A = arith.constant 0 : i32
            %dma_wait3A_55 = tpu.memref_slice %arg8[%scan3A_45, %dma_wait3A] : memref<125x80xi32, #tpu.memory_space<vmem>> -> memref<1x80xi32, #tpu.memory_space<vmem>>
            %dma_wait3A_56 = tpu.memref_squeeze %dma_wait3A_55 : memref<1x80xi32, #tpu.memory_space<vmem>> -> memref<80xi32, #tpu.memory_space<vmem>>
            %dma_wait3A_57 = arith.constant 0 : i32
            %dma_wait3A_58 = arith.constant 0 : i32
            %dma_wait3A_59 = tpu.memref_slice %arg2[%scan3A_12, %dma_wait3A_57, %dma_wait3A_58] : memref<4x10000x128xf32, #tpu.memory_space<hbm>> -> memref<1x10000x128xf32, #tpu.memory_space<hbm>>
            %dma_wait3A_60 = tpu.memref_squeeze %dma_wait3A_59 : memref<1x10000x128xf32, #tpu.memory_space<hbm>> -> memref<10000x128xf32, #tpu.memory_space<hbm>>
            %dma_wait3A_61 = arith.constant 0 : i32
            %dma_wait3A_62 = arith.constant 0 : i32
            %dma_wait3A_63 = tpu.memref_slice %dma_wait3A_60[%dma_wait3A_61, %dma_wait3A_62] : memref<10000x128xf32, #tpu.memory_space<hbm>> -> memref<10000x128xf32, #tpu.memory_space<hbm>>
            tpu.wait_indirect_dma semaphore(%arg12 : memref<!tpu.dma_semaphore, #tpu.memory_space<semaphore_mem>>) src(%dma_wait3A_63 : memref<10000x128xf32, #tpu.memory_space<hbm>>) dst(%arg10 : memref<80x128xf32, #tpu.memory_space<vmem>>)
            "tpu.region"() ({
              %run_scoped3A = tpu.sem_alloc : memref<!tpu.dma_semaphore, #tpu.memory_space<semaphore_mem>>
              %dma_start3A_64 = arith.constant 0 : i32
              %dma_start3A_65 = tpu.memref_slice %arg9[%scan3A_45, %dma_start3A_64] : memref<125x80xi32, #tpu.memory_space<vmem>> -> memref<1x80xi32, #tpu.memory_space<vmem>>
              %dma_start3A_66 = tpu.memref_squeeze %dma_start3A_65 : memref<1x80xi32, #tpu.memory_space<vmem>> -> memref<80xi32, #tpu.memory_space<vmem>>
              %dma_start3A_67 = arith.constant 0 : i32
              %dma_start3A_68 = arith.constant 0 : i32
              %dma_start3A_69 = tpu.memref_slice %arg11[%dma_start3A_67, %dma_start3A_68] : memref<10112x128xf32, #tpu.memory_space<vmem_shared>> -> memref<10112x128xf32, #tpu.memory_space<vmem_shared>>
              tpu.enqueue_indirect_dma source(%arg10 : memref<80x128xf32, #tpu.memory_space<vmem>>) target(%dma_start3A_69 : memref<10112x128xf32, #tpu.memory_space<vmem_shared>>) offsets(%dma_start3A_66 : memref<80xi32, #tpu.memory_space<vmem>>) semaphore(%run_scoped3A : memref<!tpu.dma_semaphore, #tpu.memory_space<semaphore_mem>>) {add = true}
              %dma_wait3A_70 = arith.constant 0 : i32
              %dma_wait3A_71 = tpu.memref_slice %arg9[%scan3A_45, %dma_wait3A_70] : memref<125x80xi32, #tpu.memory_space<vmem>> -> memref<1x80xi32, #tpu.memory_space<vmem>>
              %dma_wait3A_72 = tpu.memref_squeeze %dma_wait3A_71 : memref<1x80xi32, #tpu.memory_space<vmem>> -> memref<80xi32, #tpu.memory_space<vmem>>
              %dma_wait3A_73 = arith.constant 0 : i32
              %dma_wait3A_74 = arith.constant 0 : i32
              %dma_wait3A_75 = tpu.memref_slice %arg11[%dma_wait3A_73, %dma_wait3A_74] : memref<10112x128xf32, #tpu.memory_space<vmem_shared>> -> memref<10112x128xf32, #tpu.memory_space<vmem_shared>>
              tpu.wait_indirect_dma semaphore(%run_scoped3A : memref<!tpu.dma_semaphore, #tpu.memory_space<semaphore_mem>>) src(%arg10 : memref<80x128xf32, #tpu.memory_space<vmem>>) dst(%dma_wait3A_75 : memref<10112x128xf32, #tpu.memory_space<vmem_shared>>)
              tpu.yield
            }) : () -> ()
          }
          %scan3A_43 = arith.constant 125 : i32
          %barrier3A_44 = arith.constant 0 : index
          tpu.barrier barrier_id(%barrier3A_44)
          "tpu.region"() ({
            %run_scoped3A = tpu.sem_alloc : memref<!tpu.dma_semaphore, #tpu.memory_space<semaphore_mem>>
            %dma_start3A = arith.constant 0 : i32
            %dma_start3A_45 = tpu.memref_slice %arg6[%scan3A_12, %arg0, %mul3A_2, %dma_start3A] : memref<4x2x10112x128xf32, #tpu.memory_space<hbm>> -> memref<1x1x632x128xf32, #tpu.memory_space<hbm>>
            %dma_start3A_46 = tpu.memref_squeeze %dma_start3A_45 : memref<1x1x632x128xf32, #tpu.memory_space<hbm>> -> memref<632x128xf32, #tpu.memory_space<hbm>>
            %dma_start3A_47 = arith.constant 0 : i32
            %dma_start3A_48 = tpu.memref_slice %arg11[%mul3A_2, %dma_start3A_47] : memref<10112x128xf32, #tpu.memory_space<vmem_shared>> -> memref<632x128xf32, #tpu.memory_space<vmem_shared>>
            tpu.enqueue_dma source(%dma_start3A_48 : memref<632x128xf32, #tpu.memory_space<vmem_shared>>) target(%dma_start3A_46 : memref<632x128xf32, #tpu.memory_space<hbm>>) target_semaphore(%run_scoped3A : memref<!tpu.dma_semaphore, #tpu.memory_space<semaphore_mem>>)
            %dma_wait3A = arith.constant 0 : i32
            %dma_wait3A_49 = tpu.memref_slice %arg6[%scan3A_12, %arg0, %mul3A_2, %dma_wait3A] : memref<4x2x10112x128xf32, #tpu.memory_space<hbm>> -> memref<1x1x632x128xf32, #tpu.memory_space<hbm>>
            %dma_wait3A_50 = tpu.memref_squeeze %dma_wait3A_49 : memref<1x1x632x128xf32, #tpu.memory_space<hbm>> -> memref<632x128xf32, #tpu.memory_space<hbm>>
            %dma_wait3A_51 = arith.constant 0 : i32
            %dma_wait3A_52 = tpu.memref_slice %arg11[%mul3A_2, %dma_wait3A_51] : memref<10112x128xf32, #tpu.memory_space<vmem_shared>> -> memref<632x128xf32, #tpu.memory_space<vmem_shared>>
            tpu.wait_dma2 semaphore(%run_scoped3A : memref<!tpu.dma_semaphore, #tpu.memory_space<semaphore_mem>>) src(%dma_wait3A_52 : memref<632x128xf32, #tpu.memory_space<vmem_shared>>) dst(%dma_wait3A_50 : memref<632x128xf32, #tpu.memory_space<hbm>>)
            tpu.yield
          }) : () -> ()
        } else {
        }
      }
      %scan3A_11 = arith.constant 4 : i32
    }
    return
  }
}

module attributes {stable_mosaic.version = 14 : i64} {
  func.func @_tc0_body(%arg0: i32, %arg1: memref<1000x128xf32, #tpu.memory_space<vmem>>, %arg2: memref<1x2x1000x128xf32, #tpu.memory_space<vmem>>, %arg3: memref<4x1000x128xf32, #tpu.memory_space<vmem>>) attributes {dimension_semantics = [#tpu.dimension_semantics<arbitrary>], iteration_bounds = array<i64: 10>, scalar_prefetch = 0 : i64, scratch_operands = 0 : i64, tpu.core_type = #tpu.core_type<tc>, window_params = [{transform_indices = @transform_0, window_bounds = array<i64: 1000, 128>}, {transform_indices = @transform_1, window_bounds = array<i64: 1, 2, 1000, 128>}, {transform_indices = @transform_2, window_bounds = array<i64: 4, 1000, 128>}]} {
    %get3A = arith.constant 0 : index
    %get3A_0 = arith.constant 0 : index
    %get3A_1 = arith.constant 0 : index
    %get3A_2 = arith.constant 0 : index
    %get3A_3 = vector.load %arg2[%get3A, %get3A_0, %get3A_1, %get3A_2] : memref<1x2x1000x128xf32, #tpu.memory_space<vmem>>, vector<1x1x1000x1xf32>
    %get3A_4 = vector.shape_cast %get3A_3 : vector<1x1x1000x1xf32> to vector<1000xf32>
    %add3A = arith.constant 1.000000e+00 : f32
    %add3A_5 = vector.broadcast %add3A : f32 to vector<1000xf32>
    %add3A_6 = arith.addf %add3A_5, %get3A_4 : vector<1000xf32>
    %get3A_7 = arith.constant 0 : index
    %get3A_8 = arith.constant 1 : index
    %get3A_9 = arith.constant 0 : index
    %get3A_10 = arith.constant 0 : index
    %get3A_11 = vector.load %arg2[%get3A_7, %get3A_8, %get3A_9, %get3A_10] : memref<1x2x1000x128xf32, #tpu.memory_space<vmem>>, vector<1x1x1000x1xf32>
    %get3A_12 = vector.shape_cast %get3A_11 : vector<1x1x1000x1xf32> to vector<1000xf32>
    %add3A_13 = arith.addf %add3A_6, %get3A_12 : vector<1000xf32>
    %rsqrt3A = math.rsqrt %add3A_13 : vector<1000xf32>
    %get3A_14 = arith.constant 0 : index
    %get3A_15 = arith.constant 0 : index
    %get3A_16 = vector.load %arg1[%get3A_14, %get3A_15] : memref<1000x128xf32, #tpu.memory_space<vmem>>, vector<1000x128xf32>
    %broadcast_in_dim3A = vector.shape_cast %rsqrt3A : vector<1000xf32> to vector<1000x1xf32>
    %mul3A = vector.broadcast %broadcast_in_dim3A : vector<1000x1xf32> to vector<1000x128xf32>
    %mul3A_17 = arith.mulf %get3A_16, %mul3A : vector<1000x128xf32>
    %swap3A = arith.constant 0 : index
    %swap3A_18 = arith.constant 0 : index
    %swap3A_19 = arith.constant 0 : index
    %swap3A_20 = vector.load %arg3[%swap3A, %swap3A_18, %swap3A_19] : memref<4x1000x128xf32, #tpu.memory_space<vmem>>, vector<1x1000x128xf32>
    %swap3A_21 = vector.shape_cast %swap3A_20 : vector<1x1000x128xf32> to vector<1000x128xf32>
    %swap3A_22 = vector.shape_cast %mul3A_17 : vector<1000x128xf32> to vector<1x1000x128xf32>
    tpu.vector_store %arg3[%swap3A, %swap3A_18, %swap3A_19], %swap3A_22 {strides = array<i32>} : memref<4x1000x128xf32, #tpu.memory_space<vmem>>, vector<1x1000x128xf32>,
    return
  }
  func.func @transform_0(%arg0: i32) -> (i32, i32) {
    %c0_i32 = arith.constant 0 : i32
    %c0_i32_0 = arith.constant 0 : i32
    return %arg0, %c0_i32 : i32, i32
  }
  func.func @transform_1(%arg0: i32) -> (i32, i32, i32, i32) {
    %c0_i32 = arith.constant 0 : i32
    %c0_i32_0 = arith.constant 0 : i32
    %c0_i32_1 = arith.constant 0 : i32
    %c0_i32_2 = arith.constant 0 : i32
    return %c0_i32, %c0_i32_0, %arg0, %c0_i32_1 : i32, i32, i32, i32
  }
  func.func @transform_2(%arg0: i32) -> (i32, i32, i32) {
    %c0_i32 = arith.constant 0 : i32
    %c0_i32_0 = arith.constant 0 : i32
    %c0_i32_1 = arith.constant 0 : i32
    return %c0_i32, %arg0, %c0_i32_0 : i32, i32, i32
  }
}

module attributes {stable_mosaic.version = 14 : i64} {
  func.func @_tc1_body(%arg0: i32, %arg1: memref<1x2x1000x128xf32, #tpu.memory_space<vmem>>, %arg2: memref<1x1000x128xf32, #tpu.memory_space<vmem>>, %arg3: memref<1x2x1000x128xf32, #tpu.memory_space<vmem>>, %arg4: memref<128x256xf32, #tpu.memory_space<vmem>>, %arg5: memref<1x256xf32, #tpu.memory_space<vmem>>, %arg6: memref<128x256xf32, #tpu.memory_space<vmem>>, %arg7: memref<1x256xf32, #tpu.memory_space<vmem>>, %arg8: memref<4x1000x128xf32, #tpu.memory_space<vmem>>) attributes {dimension_semantics = [#tpu.dimension_semantics<arbitrary>], iteration_bounds = array<i64: 10>, scalar_prefetch = 0 : i64, scratch_operands = 0 : i64, tpu.core_type = #tpu.core_type<tc>, window_params = [{transform_indices = @transform_0, window_bounds = array<i64: 1, 2, 1000, 128>}, {transform_indices = @transform_1, window_bounds = array<i64: 1, 1000, 128>}, {transform_indices = @transform_2, window_bounds = array<i64: 1, 2, 1000, 128>}, {pipeline_mode = #tpu.pipeline_mode<synchronous>, transform_indices = @transform_3, window_bounds = array<i64: 128, 256>}, {pipeline_mode = #tpu.pipeline_mode<synchronous>, transform_indices = @transform_4, window_bounds = array<i64: 1, 256>}, {pipeline_mode = #tpu.pipeline_mode<synchronous>, transform_indices = @transform_5, window_bounds = array<i64: 128, 256>}, {pipeline_mode = #tpu.pipeline_mode<synchronous>, transform_indices = @transform_6, window_bounds = array<i64: 1, 256>}, {transform_indices = @transform_7, window_bounds = array<i64: 4, 1000, 128>}]} {
    %get3A = arith.constant 0 : index
    %get3A_0 = arith.constant 0 : index
    %get3A_1 = arith.constant 0 : index
    %get3A_2 = arith.constant 0 : index
    %get3A_3 = vector.load %arg3[%get3A, %get3A_0, %get3A_1, %get3A_2] : memref<1x2x1000x128xf32, #tpu.memory_space<vmem>>, vector<1x1x1000x1xf32>
    %get3A_4 = vector.shape_cast %get3A_3 : vector<1x1x1000x1xf32> to vector<1000xf32>
    %add3A = arith.constant 1.000000e+00 : f32
    %add3A_5 = vector.broadcast %add3A : f32 to vector<1000xf32>
    %add3A_6 = arith.addf %add3A_5, %get3A_4 : vector<1000xf32>
    %get3A_7 = arith.constant 0 : index
    %get3A_8 = arith.constant 1 : index
    %get3A_9 = arith.constant 0 : index
    %get3A_10 = arith.constant 0 : index
    %get3A_11 = vector.load %arg3[%get3A_7, %get3A_8, %get3A_9, %get3A_10] : memref<1x2x1000x128xf32, #tpu.memory_space<vmem>>, vector<1x1x1000x1xf32>
    %get3A_12 = vector.shape_cast %get3A_11 : vector<1x1x1000x1xf32> to vector<1000xf32>
    %add3A_13 = arith.addf %add3A_6, %get3A_12 : vector<1000xf32>
    %rsqrt3A = math.rsqrt %add3A_13 : vector<1000xf32>
    %get3A_14 = arith.constant 0 : index
    %get3A_15 = arith.constant 0 : index
    %get3A_16 = arith.constant 0 : index
    %get3A_17 = arith.constant 0 : index
    %get3A_18 = vector.load %arg1[%get3A_14, %get3A_15, %get3A_16, %get3A_17] : memref<1x2x1000x128xf32, #tpu.memory_space<vmem>>, vector<1x1x1000x128xf32>
    %get3A_19 = vector.shape_cast %get3A_18 : vector<1x1x1000x128xf32> to vector<1000x128xf32>
    %get3A_20 = arith.constant 0 : index
    %get3A_21 = arith.constant 1 : index
    %get3A_22 = arith.constant 0 : index
    %get3A_23 = arith.constant 0 : index
    %get3A_24 = vector.load %arg1[%get3A_20, %get3A_21, %get3A_22, %get3A_23] : memref<1x2x1000x128xf32, #tpu.memory_space<vmem>>, vector<1x1x1000x128xf32>
    %get3A_25 = vector.shape_cast %get3A_24 : vector<1x1x1000x128xf32> to vector<1000x128xf32>
    %add3A_26 = arith.addf %get3A_19, %get3A_25 : vector<1000x128xf32>
    %get3A_27 = arith.constant 0 : index
    %get3A_28 = arith.constant 0 : index
    %get3A_29 = arith.constant 0 : index
    %get3A_30 = vector.load %arg2[%get3A_27, %get3A_28, %get3A_29] : memref<1x1000x128xf32, #tpu.memory_space<vmem>>, vector<1x1000x128xf32>
    %get3A_31 = vector.shape_cast %get3A_30 : vector<1x1000x128xf32> to vector<1000x128xf32>
    %add3A_32 = arith.addf %add3A_26, %get3A_31 : vector<1000x128xf32>
    %broadcast_in_dim3A = vector.shape_cast %rsqrt3A : vector<1000xf32> to vector<1000x1xf32>
    %mul3A = vector.broadcast %broadcast_in_dim3A : vector<1000x1xf32> to vector<1000x128xf32>
    %mul3A_33 = arith.mulf %add3A_32, %mul3A : vector<1000x128xf32>
    %get3A_34 = arith.constant 0 : index
    %get3A_35 = arith.constant 0 : index
    %get3A_36 = vector.load %arg4[%get3A_34, %get3A_35] : memref<128x256xf32, #tpu.memory_space<vmem>>, vector<128x256xf32>
    %dot_general3A = arith.constant dense<0.000000e+00> : vector<1000x256xf32>
    %dot_general3A_37 = tpu.matmul %mul3A_33, %get3A_36, %dot_general3A {dimension_numbers = #tpu.dot_dimension_numbers<[1], [0], [0], [1], [0, 0, 1, 1], [], []>, transpose_lhs_hint = false} : vector<1000x128xf32>, vector<128x256xf32>, vector<1000x256xf32> -> vector<1000x256xf32>
    %get3A_38 = arith.constant 0 : index
    %get3A_39 = arith.constant 0 : index
    %get3A_40 = vector.load %arg5[%get3A_38, %get3A_39] : memref<1x256xf32, #tpu.memory_space<vmem>>, vector<1x256xf32>
    %add3A_41 = vector.broadcast %get3A_40 : vector<1x256xf32> to vector<1000x256xf32>
    %add3A_42 = arith.addf %dot_general3A_37, %add3A_41 : vector<1000x256xf32>
    %max3A = arith.constant 0.000000e+00 : f32
    %max3A_43 = vector.broadcast %max3A : f32 to vector<1000x256xf32>
    %max3A_44 = arith.maximumf %add3A_42, %max3A_43 : vector<1000x256xf32>
    %broadcast_in_dim3A_45 = vector.shape_cast %rsqrt3A : vector<1000xf32> to vector<1000x1xf32>
    %mul3A_46 = vector.broadcast %broadcast_in_dim3A_45 : vector<1000x1xf32> to vector<1000x256xf32>
    %mul3A_47 = arith.mulf %max3A_44, %mul3A_46 : vector<1000x256xf32>
    %get3A_48 = arith.constant 0 : index
    %get3A_49 = arith.constant 0 : index
    %get3A_50 = vector.load %arg6[%get3A_48, %get3A_49] : memref<128x256xf32, #tpu.memory_space<vmem>>, vector<128x256xf32>
    %dot_general3A_51 = arith.constant dense<0.000000e+00> : vector<1000x256xf32>
    %dot_general3A_52 = tpu.matmul %mul3A_33, %get3A_50, %dot_general3A_51 {dimension_numbers = #tpu.dot_dimension_numbers<[1], [0], [0], [1], [0, 0, 1, 1], [], []>, transpose_lhs_hint = false} : vector<1000x128xf32>, vector<128x256xf32>, vector<1000x256xf32> -> vector<1000x256xf32>
    %get3A_53 = arith.constant 0 : index
    %get3A_54 = arith.constant 0 : index
    %get3A_55 = vector.load %arg7[%get3A_53, %get3A_54] : memref<1x256xf32, #tpu.memory_space<vmem>>, vector<1x256xf32>
    %add3A_56 = vector.broadcast %get3A_55 : vector<1x256xf32> to vector<1000x256xf32>
    %add3A_57 = arith.addf %dot_general3A_52, %add3A_56 : vector<1000x256xf32>
    %max3A_58 = arith.constant 0.000000e+00 : f32
    %max3A_59 = vector.broadcast %max3A_58 : f32 to vector<1000x256xf32>
    %max3A_60 = arith.maximumf %add3A_57, %max3A_59 : vector<1000x256xf32>
    %broadcast_in_dim3A_61 = vector.shape_cast %rsqrt3A : vector<1000xf32> to vector<1000x1xf32>
    %mul3A_62 = vector.broadcast %broadcast_in_dim3A_61 : vector<1000x1xf32> to vector<1000x256xf32>
    %mul3A_63 = arith.mulf %max3A_60, %mul3A_62 : vector<1000x256xf32>
    %slice3A = vector.extract_strided_slice %mul3A_47 {offsets = [0, 0], sizes = [1000, 128], strides = [1, 1]} : vector<1000x256xf32> to vector<1000x128xf32>
    %swap3A = arith.constant 0 : index
    %swap3A_64 = arith.constant 0 : index
    %swap3A_65 = arith.constant 0 : index
    %swap3A_66 = vector.load %arg8[%swap3A, %swap3A_64, %swap3A_65] : memref<4x1000x128xf32, #tpu.memory_space<vmem>>, vector<1x1000x128xf32>
    %swap3A_67 = vector.shape_cast %swap3A_66 : vector<1x1000x128xf32> to vector<1000x128xf32>
    %swap3A_68 = vector.shape_cast %slice3A : vector<1000x128xf32> to vector<1x1000x128xf32>
    tpu.vector_store %arg8[%swap3A, %swap3A_64, %swap3A_65], %swap3A_68 {strides = array<i32>} : memref<4x1000x128xf32, #tpu.memory_space<vmem>>, vector<1x1000x128xf32>,
    %slice3A_69 = vector.extract_strided_slice %mul3A_47 {offsets = [0, 128], sizes = [1000, 128], strides = [1, 1]} : vector<1000x256xf32> to vector<1000x128xf32>
    %swap3A_70 = arith.constant 1 : index
    %swap3A_71 = arith.constant 0 : index
    %swap3A_72 = arith.constant 0 : index
    %swap3A_73 = vector.load %arg8[%swap3A_70, %swap3A_71, %swap3A_72] : memref<4x1000x128xf32, #tpu.memory_space<vmem>>, vector<1x1000x128xf32>
    %swap3A_74 = vector.shape_cast %swap3A_73 : vector<1x1000x128xf32> to vector<1000x128xf32>
    %swap3A_75 = vector.shape_cast %slice3A_69 : vector<1000x128xf32> to vector<1x1000x128xf32>
    tpu.vector_store %arg8[%swap3A_70, %swap3A_71, %swap3A_72], %swap3A_75 {strides = array<i32>} : memref<4x1000x128xf32, #tpu.memory_space<vmem>>, vector<1x1000x128xf32>,
    %slice3A_76 = vector.extract_strided_slice %mul3A_63 {offsets = [0, 0], sizes = [1000, 128], strides = [1, 1]} : vector<1000x256xf32> to vector<1000x128xf32>
    %swap3A_77 = arith.constant 2 : index
    %swap3A_78 = arith.constant 0 : index
    %swap3A_79 = arith.constant 0 : index
    %swap3A_80 = vector.load %arg8[%swap3A_77, %swap3A_78, %swap3A_79] : memref<4x1000x128xf32, #tpu.memory_space<vmem>>, vector<1x1000x128xf32>
    %swap3A_81 = vector.shape_cast %swap3A_80 : vector<1x1000x128xf32> to vector<1000x128xf32>
    %swap3A_82 = vector.shape_cast %slice3A_76 : vector<1000x128xf32> to vector<1x1000x128xf32>
    tpu.vector_store %arg8[%swap3A_77, %swap3A_78, %swap3A_79], %swap3A_82 {strides = array<i32>} : memref<4x1000x128xf32, #tpu.memory_space<vmem>>, vector<1x1000x128xf32>,
    %slice3A_83 = vector.extract_strided_slice %mul3A_63 {offsets = [0, 128], sizes = [1000, 128], strides = [1, 1]} : vector<1000x256xf32> to vector<1000x128xf32>
    %swap3A_84 = arith.constant 3 : index
    %swap3A_85 = arith.constant 0 : index
    %swap3A_86 = arith.constant 0 : index
    %swap3A_87 = vector.load %arg8[%swap3A_84, %swap3A_85, %swap3A_86] : memref<4x1000x128xf32, #tpu.memory_space<vmem>>, vector<1x1000x128xf32>
    %swap3A_88 = vector.shape_cast %swap3A_87 : vector<1x1000x128xf32> to vector<1000x128xf32>
    %swap3A_89 = vector.shape_cast %slice3A_83 : vector<1000x128xf32> to vector<1x1000x128xf32>
    tpu.vector_store %arg8[%swap3A_84, %swap3A_85, %swap3A_86], %swap3A_89 {strides = array<i32>} : memref<4x1000x128xf32, #tpu.memory_space<vmem>>, vector<1x1000x128xf32>,
    return
  }
  func.func @transform_0(%arg0: i32) -> (i32, i32, i32, i32) {
    %c0_i32 = arith.constant 0 : i32
    %c0_i32_0 = arith.constant 0 : i32
    %c0_i32_1 = arith.constant 0 : i32
    %c0_i32_2 = arith.constant 0 : i32
    return %c0_i32, %c0_i32_0, %arg0, %c0_i32_1 : i32, i32, i32, i32
  }
  func.func @transform_1(%arg0: i32) -> (i32, i32, i32) {
    %c0_i32 = arith.constant 0 : i32
    %c0_i32_0 = arith.constant 0 : i32
    %c0_i32_1 = arith.constant 0 : i32
    return %c0_i32, %arg0, %c0_i32_0 : i32, i32, i32
  }
  func.func @transform_2(%arg0: i32) -> (i32, i32, i32, i32) {
    %c0_i32 = arith.constant 0 : i32
    %c0_i32_0 = arith.constant 0 : i32
    %c0_i32_1 = arith.constant 0 : i32
    %c0_i32_2 = arith.constant 0 : i32
    return %c0_i32, %c0_i32_0, %arg0, %c0_i32_1 : i32, i32, i32, i32
  }
  func.func @transform_3(%arg0: i32) -> (i32, i32) {
    %c0_i32 = arith.constant 0 : i32
    %c0_i32_0 = arith.constant 0 : i32
    %c0_i32_1 = arith.constant 0 : i32
    return %c0_i32, %c0_i32_0 : i32, i32
  }
  func.func @transform_4(%arg0: i32) -> (i32, i32) {
    %c0_i32 = arith.constant 0 : i32
    %c0_i32_0 = arith.constant 0 : i32
    %c0_i32_1 = arith.constant 0 : i32
    return %c0_i32, %c0_i32_0 : i32, i32
  }
  func.func @transform_5(%arg0: i32) -> (i32, i32) {
    %c0_i32 = arith.constant 0 : i32
    %c0_i32_0 = arith.constant 0 : i32
    %c0_i32_1 = arith.constant 0 : i32
    return %c0_i32, %c0_i32_0 : i32, i32
  }
  func.func @transform_6(%arg0: i32) -> (i32, i32) {
    %c0_i32 = arith.constant 0 : i32
    %c0_i32_0 = arith.constant 0 : i32
    %c0_i32_1 = arith.constant 0 : i32
    return %c0_i32, %c0_i32_0 : i32, i32
  }
  func.func @transform_7(%arg0: i32) -> (i32, i32, i32) {
    %c0_i32 = arith.constant 0 : i32
    %c0_i32_0 = arith.constant 0 : i32
    %c0_i32_1 = arith.constant 0 : i32
    return %c0_i32, %arg0, %c0_i32_0 : i32, i32, i32
  }
}

module attributes {stable_mosaic.version = 14 : i64} {
  func.func @_tc2_body(%arg0: i32, %arg1: memref<4x2x1000x128xf32, #tpu.memory_space<vmem>>, %arg2: memref<4x1000x128xf32, #tpu.memory_space<vmem>>, %arg3: memref<1x2x1000x128xf32, #tpu.memory_space<vmem>>, %arg4: memref<256x256xf32, #tpu.memory_space<vmem>>, %arg5: memref<1x256xf32, #tpu.memory_space<vmem>>, %arg6: memref<256x256xf32, #tpu.memory_space<vmem>>, %arg7: memref<1x256xf32, #tpu.memory_space<vmem>>, %arg8: memref<4x1000x128xf32, #tpu.memory_space<vmem>>) attributes {dimension_semantics = [#tpu.dimension_semantics<arbitrary>], iteration_bounds = array<i64: 10>, scalar_prefetch = 0 : i64, scratch_operands = 0 : i64, tpu.core_type = #tpu.core_type<tc>, window_params = [{transform_indices = @transform_0, window_bounds = array<i64: 4, 2, 1000, 128>}, {transform_indices = @transform_1, window_bounds = array<i64: 4, 1000, 128>}, {transform_indices = @transform_2, window_bounds = array<i64: 1, 2, 1000, 128>}, {pipeline_mode = #tpu.pipeline_mode<synchronous>, transform_indices = @transform_3, window_bounds = array<i64: 256, 256>}, {pipeline_mode = #tpu.pipeline_mode<synchronous>, transform_indices = @transform_4, window_bounds = array<i64: 1, 256>}, {pipeline_mode = #tpu.pipeline_mode<synchronous>, transform_indices = @transform_5, window_bounds = array<i64: 256, 256>}, {pipeline_mode = #tpu.pipeline_mode<synchronous>, transform_indices = @transform_6, window_bounds = array<i64: 1, 256>}, {transform_indices = @transform_7, window_bounds = array<i64: 4, 1000, 128>}]} {
    %get3A = arith.constant 0 : index
    %get3A_0 = arith.constant 0 : index
    %get3A_1 = arith.constant 0 : index
    %get3A_2 = arith.constant 0 : index
    %get3A_3 = vector.load %arg3[%get3A, %get3A_0, %get3A_1, %get3A_2] : memref<1x2x1000x128xf32, #tpu.memory_space<vmem>>, vector<1x1x1000x1xf32>
    %get3A_4 = vector.shape_cast %get3A_3 : vector<1x1x1000x1xf32> to vector<1000xf32>
    %add3A = arith.constant 1.000000e+00 : f32
    %add3A_5 = vector.broadcast %add3A : f32 to vector<1000xf32>
    %add3A_6 = arith.addf %add3A_5, %get3A_4 : vector<1000xf32>
    %get3A_7 = arith.constant 0 : index
    %get3A_8 = arith.constant 1 : index
    %get3A_9 = arith.constant 0 : index
    %get3A_10 = arith.constant 0 : index
    %get3A_11 = vector.load %arg3[%get3A_7, %get3A_8, %get3A_9, %get3A_10] : memref<1x2x1000x128xf32, #tpu.memory_space<vmem>>, vector<1x1x1000x1xf32>
    %get3A_12 = vector.shape_cast %get3A_11 : vector<1x1x1000x1xf32> to vector<1000xf32>
    %add3A_13 = arith.addf %add3A_6, %get3A_12 : vector<1000xf32>
    %rsqrt3A = math.rsqrt %add3A_13 : vector<1000xf32>
    %get3A_14 = arith.constant 0 : index
    %get3A_15 = arith.constant 0 : index
    %get3A_16 = arith.constant 0 : index
    %get3A_17 = arith.constant 0 : index
    %get3A_18 = vector.load %arg1[%get3A_14, %get3A_15, %get3A_16, %get3A_17] : memref<4x2x1000x128xf32, #tpu.memory_space<vmem>>, vector<1x1x1000x128xf32>
    %get3A_19 = vector.shape_cast %get3A_18 : vector<1x1x1000x128xf32> to vector<1000x128xf32>
    %get3A_20 = arith.constant 0 : index
    %get3A_21 = arith.constant 1 : index
    %get3A_22 = arith.constant 0 : index
    %get3A_23 = arith.constant 0 : index
    %get3A_24 = vector.load %arg1[%get3A_20, %get3A_21, %get3A_22, %get3A_23] : memref<4x2x1000x128xf32, #tpu.memory_space<vmem>>, vector<1x1x1000x128xf32>
    %get3A_25 = vector.shape_cast %get3A_24 : vector<1x1x1000x128xf32> to vector<1000x128xf32>
    %add3A_26 = arith.addf %get3A_19, %get3A_25 : vector<1000x128xf32>
    %get3A_27 = arith.constant 0 : index
    %get3A_28 = arith.constant 0 : index
    %get3A_29 = arith.constant 0 : index
    %get3A_30 = vector.load %arg2[%get3A_27, %get3A_28, %get3A_29] : memref<4x1000x128xf32, #tpu.memory_space<vmem>>, vector<1x1000x128xf32>
    %get3A_31 = vector.shape_cast %get3A_30 : vector<1x1000x128xf32> to vector<1000x128xf32>
    %add3A_32 = arith.addf %add3A_26, %get3A_31 : vector<1000x128xf32>
    %get3A_33 = arith.constant 1 : index
    %get3A_34 = arith.constant 0 : index
    %get3A_35 = arith.constant 0 : index
    %get3A_36 = arith.constant 0 : index
    %get3A_37 = vector.load %arg1[%get3A_33, %get3A_34, %get3A_35, %get3A_36] : memref<4x2x1000x128xf32, #tpu.memory_space<vmem>>, vector<1x1x1000x128xf32>
    %get3A_38 = vector.shape_cast %get3A_37 : vector<1x1x1000x128xf32> to vector<1000x128xf32>
    %get3A_39 = arith.constant 1 : index
    %get3A_40 = arith.constant 1 : index
    %get3A_41 = arith.constant 0 : index
    %get3A_42 = arith.constant 0 : index
    %get3A_43 = vector.load %arg1[%get3A_39, %get3A_40, %get3A_41, %get3A_42] : memref<4x2x1000x128xf32, #tpu.memory_space<vmem>>, vector<1x1x1000x128xf32>
    %get3A_44 = vector.shape_cast %get3A_43 : vector<1x1x1000x128xf32> to vector<1000x128xf32>
    %add3A_45 = arith.addf %get3A_38, %get3A_44 : vector<1000x128xf32>
    %get3A_46 = arith.constant 1 : index
    %get3A_47 = arith.constant 0 : index
    %get3A_48 = arith.constant 0 : index
    %get3A_49 = vector.load %arg2[%get3A_46, %get3A_47, %get3A_48] : memref<4x1000x128xf32, #tpu.memory_space<vmem>>, vector<1x1000x128xf32>
    %get3A_50 = vector.shape_cast %get3A_49 : vector<1x1000x128xf32> to vector<1000x128xf32>
    %add3A_51 = arith.addf %add3A_45, %get3A_50 : vector<1000x128xf32>
    %concatenate3A = tpu.concatenate %add3A_32, %add3A_51 in 1 : vector<1000x128xf32>, vector<1000x128xf32> -> vector<1000x256xf32>
    %get3A_52 = arith.constant 2 : index
    %get3A_53 = arith.constant 0 : index
    %get3A_54 = arith.constant 0 : index
    %get3A_55 = arith.constant 0 : index
    %get3A_56 = vector.load %arg1[%get3A_52, %get3A_53, %get3A_54, %get3A_55] : memref<4x2x1000x128xf32, #tpu.memory_space<vmem>>, vector<1x1x1000x128xf32>
    %get3A_57 = vector.shape_cast %get3A_56 : vector<1x1x1000x128xf32> to vector<1000x128xf32>
    %get3A_58 = arith.constant 2 : index
    %get3A_59 = arith.constant 1 : index
    %get3A_60 = arith.constant 0 : index
    %get3A_61 = arith.constant 0 : index
    %get3A_62 = vector.load %arg1[%get3A_58, %get3A_59, %get3A_60, %get3A_61] : memref<4x2x1000x128xf32, #tpu.memory_space<vmem>>, vector<1x1x1000x128xf32>
    %get3A_63 = vector.shape_cast %get3A_62 : vector<1x1x1000x128xf32> to vector<1000x128xf32>
    %add3A_64 = arith.addf %get3A_57, %get3A_63 : vector<1000x128xf32>
    %get3A_65 = arith.constant 2 : index
    %get3A_66 = arith.constant 0 : index
    %get3A_67 = arith.constant 0 : index
    %get3A_68 = vector.load %arg2[%get3A_65, %get3A_66, %get3A_67] : memref<4x1000x128xf32, #tpu.memory_space<vmem>>, vector<1x1000x128xf32>
    %get3A_69 = vector.shape_cast %get3A_68 : vector<1x1000x128xf32> to vector<1000x128xf32>
    %add3A_70 = arith.addf %add3A_64, %get3A_69 : vector<1000x128xf32>
    %get3A_71 = arith.constant 3 : index
    %get3A_72 = arith.constant 0 : index
    %get3A_73 = arith.constant 0 : index
    %get3A_74 = arith.constant 0 : index
    %get3A_75 = vector.load %arg1[%get3A_71, %get3A_72, %get3A_73, %get3A_74] : memref<4x2x1000x128xf32, #tpu.memory_space<vmem>>, vector<1x1x1000x128xf32>
    %get3A_76 = vector.shape_cast %get3A_75 : vector<1x1x1000x128xf32> to vector<1000x128xf32>
    %get3A_77 = arith.constant 3 : index
    %get3A_78 = arith.constant 1 : index
    %get3A_79 = arith.constant 0 : index
    %get3A_80 = arith.constant 0 : index
    %get3A_81 = vector.load %arg1[%get3A_77, %get3A_78, %get3A_79, %get3A_80] : memref<4x2x1000x128xf32, #tpu.memory_space<vmem>>, vector<1x1x1000x128xf32>
    %get3A_82 = vector.shape_cast %get3A_81 : vector<1x1x1000x128xf32> to vector<1000x128xf32>
    %add3A_83 = arith.addf %get3A_76, %get3A_82 : vector<1000x128xf32>
    %get3A_84 = arith.constant 3 : index
    %get3A_85 = arith.constant 0 : index
    %get3A_86 = arith.constant 0 : index
    %get3A_87 = vector.load %arg2[%get3A_84, %get3A_85, %get3A_86] : memref<4x1000x128xf32, #tpu.memory_space<vmem>>, vector<1x1000x128xf32>
    %get3A_88 = vector.shape_cast %get3A_87 : vector<1x1000x128xf32> to vector<1000x128xf32>
    %add3A_89 = arith.addf %add3A_83, %get3A_88 : vector<1000x128xf32>
    %concatenate3A_90 = tpu.concatenate %add3A_70, %add3A_89 in 1 : vector<1000x128xf32>, vector<1000x128xf32> -> vector<1000x256xf32>
    %broadcast_in_dim3A = vector.shape_cast %rsqrt3A : vector<1000xf32> to vector<1000x1xf32>
    %mul3A = vector.broadcast %broadcast_in_dim3A : vector<1000x1xf32> to vector<1000x256xf32>
    %mul3A_91 = arith.mulf %concatenate3A, %mul3A : vector<1000x256xf32>
    %get3A_92 = arith.constant 0 : index
    %get3A_93 = arith.constant 0 : index
    %get3A_94 = vector.load %arg4[%get3A_92, %get3A_93] : memref<256x256xf32, #tpu.memory_space<vmem>>, vector<256x256xf32>
    %dot_general3A = arith.constant dense<0.000000e+00> : vector<1000x256xf32>
    %dot_general3A_95 = tpu.matmul %mul3A_91, %get3A_94, %dot_general3A {dimension_numbers = #tpu.dot_dimension_numbers<[1], [0], [0], [1], [0, 0, 1, 1], [], []>, transpose_lhs_hint = false} : vector<1000x256xf32>, vector<256x256xf32>, vector<1000x256xf32> -> vector<1000x256xf32>
    %get3A_96 = arith.constant 0 : index
    %get3A_97 = arith.constant 0 : index
    %get3A_98 = vector.load %arg5[%get3A_96, %get3A_97] : memref<1x256xf32, #tpu.memory_space<vmem>>, vector<1x256xf32>
    %add3A_99 = vector.broadcast %get3A_98 : vector<1x256xf32> to vector<1000x256xf32>
    %add3A_100 = arith.addf %dot_general3A_95, %add3A_99 : vector<1000x256xf32>
    %max3A = arith.constant 0.000000e+00 : f32
    %max3A_101 = vector.broadcast %max3A : f32 to vector<1000x256xf32>
    %max3A_102 = arith.maximumf %add3A_100, %max3A_101 : vector<1000x256xf32>
    %broadcast_in_dim3A_103 = vector.shape_cast %rsqrt3A : vector<1000xf32> to vector<1000x1xf32>
    %mul3A_104 = vector.broadcast %broadcast_in_dim3A_103 : vector<1000x1xf32> to vector<1000x256xf32>
    %mul3A_105 = arith.mulf %max3A_102, %mul3A_104 : vector<1000x256xf32>
    %broadcast_in_dim3A_106 = vector.shape_cast %rsqrt3A : vector<1000xf32> to vector<1000x1xf32>
    %mul3A_107 = vector.broadcast %broadcast_in_dim3A_106 : vector<1000x1xf32> to vector<1000x256xf32>
    %mul3A_108 = arith.mulf %concatenate3A_90, %mul3A_107 : vector<1000x256xf32>
    %get3A_109 = arith.constant 0 : index
    %get3A_110 = arith.constant 0 : index
    %get3A_111 = vector.load %arg6[%get3A_109, %get3A_110] : memref<256x256xf32, #tpu.memory_space<vmem>>, vector<256x256xf32>
    %dot_general3A_112 = arith.constant dense<0.000000e+00> : vector<1000x256xf32>
    %dot_general3A_113 = tpu.matmul %mul3A_108, %get3A_111, %dot_general3A_112 {dimension_numbers = #tpu.dot_dimension_numbers<[1], [0], [0], [1], [0, 0, 1, 1], [], []>, transpose_lhs_hint = false} : vector<1000x256xf32>, vector<256x256xf32>, vector<1000x256xf32> -> vector<1000x256xf32>
    %get3A_114 = arith.constant 0 : index
    %get3A_115 = arith.constant 0 : index
    %get3A_116 = vector.load %arg7[%get3A_114, %get3A_115] : memref<1x256xf32, #tpu.memory_space<vmem>>, vector<1x256xf32>
    %add3A_117 = vector.broadcast %get3A_116 : vector<1x256xf32> to vector<1000x256xf32>
    %add3A_118 = arith.addf %dot_general3A_113, %add3A_117 : vector<1000x256xf32>
    %max3A_119 = arith.constant 0.000000e+00 : f32
    %max3A_120 = vector.broadcast %max3A_119 : f32 to vector<1000x256xf32>
    %max3A_121 = arith.maximumf %add3A_118, %max3A_120 : vector<1000x256xf32>
    %broadcast_in_dim3A_122 = vector.shape_cast %rsqrt3A : vector<1000xf32> to vector<1000x1xf32>
    %mul3A_123 = vector.broadcast %broadcast_in_dim3A_122 : vector<1000x1xf32> to vector<1000x256xf32>
    %mul3A_124 = arith.mulf %max3A_121, %mul3A_123 : vector<1000x256xf32>
    %get3A_125 = arith.constant 2 : index
    %get3A_126 = arith.constant 0 : index
    %get3A_127 = arith.constant 0 : index
    %get3A_128 = vector.load %arg2[%get3A_125, %get3A_126, %get3A_127] : memref<4x1000x128xf32, #tpu.memory_space<vmem>>, vector<1x1000x128xf32>
    %get3A_129 = vector.shape_cast %get3A_128 : vector<1x1000x128xf32> to vector<1000x128xf32>
    %get3A_130 = arith.constant 3 : index
    %get3A_131 = arith.constant 0 : index
    %get3A_132 = arith.constant 0 : index
    %get3A_133 = vector.load %arg2[%get3A_130, %get3A_131, %get3A_132] : memref<4x1000x128xf32, #tpu.memory_space<vmem>>, vector<1x1000x128xf32>
    %get3A_134 = vector.shape_cast %get3A_133 : vector<1x1000x128xf32> to vector<1000x128xf32>
    %concatenate3A_135 = tpu.concatenate %get3A_129, %get3A_134 in 1 : vector<1000x128xf32>, vector<1000x128xf32> -> vector<1000x256xf32>
    %add3A_136 = arith.addf %mul3A_105, %concatenate3A_135 : vector<1000x256xf32>
    %get3A_137 = arith.constant 0 : index
    %get3A_138 = arith.constant 0 : index
    %get3A_139 = arith.constant 0 : index
    %get3A_140 = vector.load %arg2[%get3A_137, %get3A_138, %get3A_139] : memref<4x1000x128xf32, #tpu.memory_space<vmem>>, vector<1x1000x128xf32>
    %get3A_141 = vector.shape_cast %get3A_140 : vector<1x1000x128xf32> to vector<1000x128xf32>
    %get3A_142 = arith.constant 1 : index
    %get3A_143 = arith.constant 0 : index
    %get3A_144 = arith.constant 0 : index
    %get3A_145 = vector.load %arg2[%get3A_142, %get3A_143, %get3A_144] : memref<4x1000x128xf32, #tpu.memory_space<vmem>>, vector<1x1000x128xf32>
    %get3A_146 = vector.shape_cast %get3A_145 : vector<1x1000x128xf32> to vector<1000x128xf32>
    %concatenate3A_147 = tpu.concatenate %get3A_141, %get3A_146 in 1 : vector<1000x128xf32>, vector<1000x128xf32> -> vector<1000x256xf32>
    %add3A_148 = arith.addf %mul3A_124, %concatenate3A_147 : vector<1000x256xf32>
    %slice3A = vector.extract_strided_slice %add3A_136 {offsets = [0, 0], sizes = [1000, 128], strides = [1, 1]} : vector<1000x256xf32> to vector<1000x128xf32>
    %swap3A = arith.constant 0 : index
    %swap3A_149 = arith.constant 0 : index
    %swap3A_150 = arith.constant 0 : index
    %swap3A_151 = vector.load %arg8[%swap3A, %swap3A_149, %swap3A_150] : memref<4x1000x128xf32, #tpu.memory_space<vmem>>, vector<1x1000x128xf32>
    %swap3A_152 = vector.shape_cast %swap3A_151 : vector<1x1000x128xf32> to vector<1000x128xf32>
    %swap3A_153 = vector.shape_cast %slice3A : vector<1000x128xf32> to vector<1x1000x128xf32>
    tpu.vector_store %arg8[%swap3A, %swap3A_149, %swap3A_150], %swap3A_153 {strides = array<i32>} : memref<4x1000x128xf32, #tpu.memory_space<vmem>>, vector<1x1000x128xf32>,
    %slice3A_154 = vector.extract_strided_slice %add3A_136 {offsets = [0, 128], sizes = [1000, 128], strides = [1, 1]} : vector<1000x256xf32> to vector<1000x128xf32>
    %swap3A_155 = arith.constant 1 : index
    %swap3A_156 = arith.constant 0 : index
    %swap3A_157 = arith.constant 0 : index
    %swap3A_158 = vector.load %arg8[%swap3A_155, %swap3A_156, %swap3A_157] : memref<4x1000x128xf32, #tpu.memory_space<vmem>>, vector<1x1000x128xf32>
    %swap3A_159 = vector.shape_cast %swap3A_158 : vector<1x1000x128xf32> to vector<1000x128xf32>
    %swap3A_160 = vector.shape_cast %slice3A_154 : vector<1000x128xf32> to vector<1x1000x128xf32>
    tpu.vector_store %arg8[%swap3A_155, %swap3A_156, %swap3A_157], %swap3A_160 {strides = array<i32>} : memref<4x1000x128xf32, #tpu.memory_space<vmem>>, vector<1x1000x128xf32>,
    %slice3A_161 = vector.extract_strided_slice %add3A_148 {offsets = [0, 0], sizes = [1000, 128], strides = [1, 1]} : vector<1000x256xf32> to vector<1000x128xf32>
    %swap3A_162 = arith.constant 2 : index
    %swap3A_163 = arith.constant 0 : index
    %swap3A_164 = arith.constant 0 : index
    %swap3A_165 = vector.load %arg8[%swap3A_162, %swap3A_163, %swap3A_164] : memref<4x1000x128xf32, #tpu.memory_space<vmem>>, vector<1x1000x128xf32>
    %swap3A_166 = vector.shape_cast %swap3A_165 : vector<1x1000x128xf32> to vector<1000x128xf32>
    %swap3A_167 = vector.shape_cast %slice3A_161 : vector<1000x128xf32> to vector<1x1000x128xf32>
    tpu.vector_store %arg8[%swap3A_162, %swap3A_163, %swap3A_164], %swap3A_167 {strides = array<i32>} : memref<4x1000x128xf32, #tpu.memory_space<vmem>>, vector<1x1000x128xf32>,
    %slice3A_168 = vector.extract_strided_slice %add3A_148 {offsets = [0, 128], sizes = [1000, 128], strides = [1, 1]} : vector<1000x256xf32> to vector<1000x128xf32>
    %swap3A_169 = arith.constant 3 : index
    %swap3A_170 = arith.constant 0 : index
    %swap3A_171 = arith.constant 0 : index
    %swap3A_172 = vector.load %arg8[%swap3A_169, %swap3A_170, %swap3A_171] : memref<4x1000x128xf32, #tpu.memory_space<vmem>>, vector<1x1000x128xf32>
    %swap3A_173 = vector.shape_cast %swap3A_172 : vector<1x1000x128xf32> to vector<1000x128xf32>
    %swap3A_174 = vector.shape_cast %slice3A_168 : vector<1000x128xf32> to vector<1x1000x128xf32>
    tpu.vector_store %arg8[%swap3A_169, %swap3A_170, %swap3A_171], %swap3A_174 {strides = array<i32>} : memref<4x1000x128xf32, #tpu.memory_space<vmem>>, vector<1x1000x128xf32>,
    return
  }
  func.func @transform_0(%arg0: i32) -> (i32, i32, i32, i32) {
    %c0_i32 = arith.constant 0 : i32
    %c0_i32_0 = arith.constant 0 : i32
    %c0_i32_1 = arith.constant 0 : i32
    %c0_i32_2 = arith.constant 0 : i32
    return %c0_i32, %c0_i32_0, %arg0, %c0_i32_1 : i32, i32, i32, i32
  }
  func.func @transform_1(%arg0: i32) -> (i32, i32, i32) {
    %c0_i32 = arith.constant 0 : i32
    %c0_i32_0 = arith.constant 0 : i32
    %c0_i32_1 = arith.constant 0 : i32
    return %c0_i32, %arg0, %c0_i32_0 : i32, i32, i32
  }
  func.func @transform_2(%arg0: i32) -> (i32, i32, i32, i32) {
    %c0_i32 = arith.constant 0 : i32
    %c0_i32_0 = arith.constant 0 : i32
    %c0_i32_1 = arith.constant 0 : i32
    %c0_i32_2 = arith.constant 0 : i32
    return %c0_i32, %c0_i32_0, %arg0, %c0_i32_1 : i32, i32, i32, i32
  }
  func.func @transform_3(%arg0: i32) -> (i32, i32) {
    %c0_i32 = arith.constant 0 : i32
    %c0_i32_0 = arith.constant 0 : i32
    %c0_i32_1 = arith.constant 0 : i32
    return %c0_i32, %c0_i32_0 : i32, i32
  }
  func.func @transform_4(%arg0: i32) -> (i32, i32) {
    %c0_i32 = arith.constant 0 : i32
    %c0_i32_0 = arith.constant 0 : i32
    %c0_i32_1 = arith.constant 0 : i32
    return %c0_i32, %c0_i32_0 : i32, i32
  }
  func.func @transform_5(%arg0: i32) -> (i32, i32) {
    %c0_i32 = arith.constant 0 : i32
    %c0_i32_0 = arith.constant 0 : i32
    %c0_i32_1 = arith.constant 0 : i32
    return %c0_i32, %c0_i32_0 : i32, i32
  }
  func.func @transform_6(%arg0: i32) -> (i32, i32) {
    %c0_i32 = arith.constant 0 : i32
    %c0_i32_0 = arith.constant 0 : i32
    %c0_i32_1 = arith.constant 0 : i32
    return %c0_i32, %c0_i32_0 : i32, i32
  }
  func.func @transform_7(%arg0: i32) -> (i32, i32, i32) {
    %c0_i32 = arith.constant 0 : i32
    %c0_i32_0 = arith.constant 0 : i32
    %c0_i32_1 = arith.constant 0 : i32
    return %c0_i32, %arg0, %c0_i32_0 : i32, i32, i32
  }
}

module attributes {stable_mosaic.version = 14 : i64} {
  func.func @_tc3_body(%arg0: i32, %arg1: memref<4x2x1000x128xf32, #tpu.memory_space<vmem>>, %arg2: memref<4x1000x128xf32, #tpu.memory_space<vmem>>, %arg3: memref<1x2x1000x128xf32, #tpu.memory_space<vmem>>, %arg4: memref<256x256xf32, #tpu.memory_space<vmem>>, %arg5: memref<1x256xf32, #tpu.memory_space<vmem>>, %arg6: memref<256x256xf32, #tpu.memory_space<vmem>>, %arg7: memref<1x256xf32, #tpu.memory_space<vmem>>, %arg8: memref<1x1x1000xi32, #tpu.memory_space<vmem>>, %arg9: memref<256x16xf32, #tpu.memory_space<vmem>>, %arg10: memref<1x16xf32, #tpu.memory_space<vmem>>, %arg11: memref<128x16xf32, #tpu.memory_space<vmem>>, %arg12: memref<128x256xf32, #tpu.memory_space<vmem>>, %arg13: memref<128x256xf32, #tpu.memory_space<vmem>>, %arg14: memref<128x1xf32, #tpu.memory_space<vmem>>) attributes {dimension_semantics = [#tpu.dimension_semantics<arbitrary>], iteration_bounds = array<i64: 10>, scalar_prefetch = 0 : i64, scratch_operands = 2 : i64, tpu.core_type = #tpu.core_type<tc>, window_params = [{transform_indices = @transform_0, window_bounds = array<i64: 4, 2, 1000, 128>}, {transform_indices = @transform_1, window_bounds = array<i64: 4, 1000, 128>}, {transform_indices = @transform_2, window_bounds = array<i64: 1, 2, 1000, 128>}, {pipeline_mode = #tpu.pipeline_mode<synchronous>, transform_indices = @transform_3, window_bounds = array<i64: 256, 256>}, {pipeline_mode = #tpu.pipeline_mode<synchronous>, transform_indices = @transform_4, window_bounds = array<i64: 1, 256>}, {pipeline_mode = #tpu.pipeline_mode<synchronous>, transform_indices = @transform_5, window_bounds = array<i64: 256, 256>}, {pipeline_mode = #tpu.pipeline_mode<synchronous>, transform_indices = @transform_6, window_bounds = array<i64: 1, 256>}, {transform_indices = @transform_7, window_bounds = array<i64: 1, 1, 1000>}, {pipeline_mode = #tpu.pipeline_mode<synchronous>, transform_indices = @transform_8, window_bounds = array<i64: 256, 16>}, {pipeline_mode = #tpu.pipeline_mode<synchronous>, transform_indices = @transform_9, window_bounds = array<i64: 1, 16>}, {pipeline_mode = #tpu.pipeline_mode<synchronous>, transform_indices = @transform_10, window_bounds = array<i64: 128, 16>}, {pipeline_mode = #tpu.pipeline_mode<synchronous>, transform_indices = @transform_11, window_bounds = array<i64: 128, 256>}]} {
    %get3A = arith.constant 0 : index
    %get3A_0 = arith.constant 0 : index
    %get3A_1 = arith.constant 0 : index
    %get3A_2 = arith.constant 0 : index
    %get3A_3 = vector.load %arg3[%get3A, %get3A_0, %get3A_1, %get3A_2] : memref<1x2x1000x128xf32, #tpu.memory_space<vmem>>, vector<1x1x1000x1xf32>
    %get3A_4 = vector.shape_cast %get3A_3 : vector<1x1x1000x1xf32> to vector<1000xf32>
    %add3A = arith.constant 1.000000e+00 : f32
    %add3A_5 = vector.broadcast %add3A : f32 to vector<1000xf32>
    %add3A_6 = arith.addf %add3A_5, %get3A_4 : vector<1000xf32>
    %get3A_7 = arith.constant 0 : index
    %get3A_8 = arith.constant 1 : index
    %get3A_9 = arith.constant 0 : index
    %get3A_10 = arith.constant 0 : index
    %get3A_11 = vector.load %arg3[%get3A_7, %get3A_8, %get3A_9, %get3A_10] : memref<1x2x1000x128xf32, #tpu.memory_space<vmem>>, vector<1x1x1000x1xf32>
    %get3A_12 = vector.shape_cast %get3A_11 : vector<1x1x1000x1xf32> to vector<1000xf32>
    %add3A_13 = arith.addf %add3A_6, %get3A_12 : vector<1000xf32>
    %rsqrt3A = math.rsqrt %add3A_13 : vector<1000xf32>
    %get3A_14 = arith.constant 0 : index
    %get3A_15 = arith.constant 0 : index
    %get3A_16 = arith.constant 0 : index
    %get3A_17 = arith.constant 0 : index
    %get3A_18 = vector.load %arg1[%get3A_14, %get3A_15, %get3A_16, %get3A_17] : memref<4x2x1000x128xf32, #tpu.memory_space<vmem>>, vector<1x1x1000x128xf32>
    %get3A_19 = vector.shape_cast %get3A_18 : vector<1x1x1000x128xf32> to vector<1000x128xf32>
    %get3A_20 = arith.constant 0 : index
    %get3A_21 = arith.constant 1 : index
    %get3A_22 = arith.constant 0 : index
    %get3A_23 = arith.constant 0 : index
    %get3A_24 = vector.load %arg1[%get3A_20, %get3A_21, %get3A_22, %get3A_23] : memref<4x2x1000x128xf32, #tpu.memory_space<vmem>>, vector<1x1x1000x128xf32>
    %get3A_25 = vector.shape_cast %get3A_24 : vector<1x1x1000x128xf32> to vector<1000x128xf32>
    %add3A_26 = arith.addf %get3A_19, %get3A_25 : vector<1000x128xf32>
    %get3A_27 = arith.constant 0 : index
    %get3A_28 = arith.constant 0 : index
    %get3A_29 = arith.constant 0 : index
    %get3A_30 = vector.load %arg2[%get3A_27, %get3A_28, %get3A_29] : memref<4x1000x128xf32, #tpu.memory_space<vmem>>, vector<1x1000x128xf32>
    %get3A_31 = vector.shape_cast %get3A_30 : vector<1x1000x128xf32> to vector<1000x128xf32>
    %add3A_32 = arith.addf %add3A_26, %get3A_31 : vector<1000x128xf32>
    %get3A_33 = arith.constant 1 : index
    %get3A_34 = arith.constant 0 : index
    %get3A_35 = arith.constant 0 : index
    %get3A_36 = arith.constant 0 : index
    %get3A_37 = vector.load %arg1[%get3A_33, %get3A_34, %get3A_35, %get3A_36] : memref<4x2x1000x128xf32, #tpu.memory_space<vmem>>, vector<1x1x1000x128xf32>
    %get3A_38 = vector.shape_cast %get3A_37 : vector<1x1x1000x128xf32> to vector<1000x128xf32>
    %get3A_39 = arith.constant 1 : index
    %get3A_40 = arith.constant 1 : index
    %get3A_41 = arith.constant 0 : index
    %get3A_42 = arith.constant 0 : index
    %get3A_43 = vector.load %arg1[%get3A_39, %get3A_40, %get3A_41, %get3A_42] : memref<4x2x1000x128xf32, #tpu.memory_space<vmem>>, vector<1x1x1000x128xf32>
    %get3A_44 = vector.shape_cast %get3A_43 : vector<1x1x1000x128xf32> to vector<1000x128xf32>
    %add3A_45 = arith.addf %get3A_38, %get3A_44 : vector<1000x128xf32>
    %get3A_46 = arith.constant 1 : index
    %get3A_47 = arith.constant 0 : index
    %get3A_48 = arith.constant 0 : index
    %get3A_49 = vector.load %arg2[%get3A_46, %get3A_47, %get3A_48] : memref<4x1000x128xf32, #tpu.memory_space<vmem>>, vector<1x1000x128xf32>
    %get3A_50 = vector.shape_cast %get3A_49 : vector<1x1000x128xf32> to vector<1000x128xf32>
    %add3A_51 = arith.addf %add3A_45, %get3A_50 : vector<1000x128xf32>
    %concatenate3A = tpu.concatenate %add3A_32, %add3A_51 in 1 : vector<1000x128xf32>, vector<1000x128xf32> -> vector<1000x256xf32>
    %get3A_52 = arith.constant 2 : index
    %get3A_53 = arith.constant 0 : index
    %get3A_54 = arith.constant 0 : index
    %get3A_55 = arith.constant 0 : index
    %get3A_56 = vector.load %arg1[%get3A_52, %get3A_53, %get3A_54, %get3A_55] : memref<4x2x1000x128xf32, #tpu.memory_space<vmem>>, vector<1x1x1000x128xf32>
    %get3A_57 = vector.shape_cast %get3A_56 : vector<1x1x1000x128xf32> to vector<1000x128xf32>
    %get3A_58 = arith.constant 2 : index
    %get3A_59 = arith.constant 1 : index
    %get3A_60 = arith.constant 0 : index
    %get3A_61 = arith.constant 0 : index
    %get3A_62 = vector.load %arg1[%get3A_58, %get3A_59, %get3A_60, %get3A_61] : memref<4x2x1000x128xf32, #tpu.memory_space<vmem>>, vector<1x1x1000x128xf32>
    %get3A_63 = vector.shape_cast %get3A_62 : vector<1x1x1000x128xf32> to vector<1000x128xf32>
    %add3A_64 = arith.addf %get3A_57, %get3A_63 : vector<1000x128xf32>
    %get3A_65 = arith.constant 2 : index
    %get3A_66 = arith.constant 0 : index
    %get3A_67 = arith.constant 0 : index
    %get3A_68 = vector.load %arg2[%get3A_65, %get3A_66, %get3A_67] : memref<4x1000x128xf32, #tpu.memory_space<vmem>>, vector<1x1000x128xf32>
    %get3A_69 = vector.shape_cast %get3A_68 : vector<1x1000x128xf32> to vector<1000x128xf32>
    %add3A_70 = arith.addf %add3A_64, %get3A_69 : vector<1000x128xf32>
    %get3A_71 = arith.constant 3 : index
    %get3A_72 = arith.constant 0 : index
    %get3A_73 = arith.constant 0 : index
    %get3A_74 = arith.constant 0 : index
    %get3A_75 = vector.load %arg1[%get3A_71, %get3A_72, %get3A_73, %get3A_74] : memref<4x2x1000x128xf32, #tpu.memory_space<vmem>>, vector<1x1x1000x128xf32>
    %get3A_76 = vector.shape_cast %get3A_75 : vector<1x1x1000x128xf32> to vector<1000x128xf32>
    %get3A_77 = arith.constant 3 : index
    %get3A_78 = arith.constant 1 : index
    %get3A_79 = arith.constant 0 : index
    %get3A_80 = arith.constant 0 : index
    %get3A_81 = vector.load %arg1[%get3A_77, %get3A_78, %get3A_79, %get3A_80] : memref<4x2x1000x128xf32, #tpu.memory_space<vmem>>, vector<1x1x1000x128xf32>
    %get3A_82 = vector.shape_cast %get3A_81 : vector<1x1x1000x128xf32> to vector<1000x128xf32>
    %add3A_83 = arith.addf %get3A_76, %get3A_82 : vector<1000x128xf32>
    %get3A_84 = arith.constant 3 : index
    %get3A_85 = arith.constant 0 : index
    %get3A_86 = arith.constant 0 : index
    %get3A_87 = vector.load %arg2[%get3A_84, %get3A_85, %get3A_86] : memref<4x1000x128xf32, #tpu.memory_space<vmem>>, vector<1x1000x128xf32>
    %get3A_88 = vector.shape_cast %get3A_87 : vector<1x1000x128xf32> to vector<1000x128xf32>
    %add3A_89 = arith.addf %add3A_83, %get3A_88 : vector<1000x128xf32>
    %concatenate3A_90 = tpu.concatenate %add3A_70, %add3A_89 in 1 : vector<1000x128xf32>, vector<1000x128xf32> -> vector<1000x256xf32>
    %broadcast_in_dim3A = vector.shape_cast %rsqrt3A : vector<1000xf32> to vector<1000x1xf32>
    %mul3A = vector.broadcast %broadcast_in_dim3A : vector<1000x1xf32> to vector<1000x256xf32>
    %mul3A_91 = arith.mulf %concatenate3A, %mul3A : vector<1000x256xf32>
    %get3A_92 = arith.constant 0 : index
    %get3A_93 = arith.constant 0 : index
    %get3A_94 = vector.load %arg4[%get3A_92, %get3A_93] : memref<256x256xf32, #tpu.memory_space<vmem>>, vector<256x256xf32>
    %dot_general3A = arith.constant dense<0.000000e+00> : vector<1000x256xf32>
    %dot_general3A_95 = tpu.matmul %mul3A_91, %get3A_94, %dot_general3A {dimension_numbers = #tpu.dot_dimension_numbers<[1], [0], [0], [1], [0, 0, 1, 1], [], []>, transpose_lhs_hint = false} : vector<1000x256xf32>, vector<256x256xf32>, vector<1000x256xf32> -> vector<1000x256xf32>
    %get3A_96 = arith.constant 0 : index
    %get3A_97 = arith.constant 0 : index
    %get3A_98 = vector.load %arg5[%get3A_96, %get3A_97] : memref<1x256xf32, #tpu.memory_space<vmem>>, vector<1x256xf32>
    %add3A_99 = vector.broadcast %get3A_98 : vector<1x256xf32> to vector<1000x256xf32>
    %add3A_100 = arith.addf %dot_general3A_95, %add3A_99 : vector<1000x256xf32>
    %max3A = arith.constant 0.000000e+00 : f32
    %max3A_101 = vector.broadcast %max3A : f32 to vector<1000x256xf32>
    %max3A_102 = arith.maximumf %add3A_100, %max3A_101 : vector<1000x256xf32>
    %broadcast_in_dim3A_103 = vector.shape_cast %rsqrt3A : vector<1000xf32> to vector<1000x1xf32>
    %mul3A_104 = vector.broadcast %broadcast_in_dim3A_103 : vector<1000x1xf32> to vector<1000x256xf32>
    %mul3A_105 = arith.mulf %concatenate3A_90, %mul3A_104 : vector<1000x256xf32>
    %get3A_106 = arith.constant 0 : index
    %get3A_107 = arith.constant 0 : index
    %get3A_108 = vector.load %arg6[%get3A_106, %get3A_107] : memref<256x256xf32, #tpu.memory_space<vmem>>, vector<256x256xf32>
    %dot_general3A_109 = arith.constant dense<0.000000e+00> : vector<1000x256xf32>
    %dot_general3A_110 = tpu.matmul %mul3A_105, %get3A_108, %dot_general3A_109 {dimension_numbers = #tpu.dot_dimension_numbers<[1], [0], [0], [1], [0, 0, 1, 1], [], []>, transpose_lhs_hint = false} : vector<1000x256xf32>, vector<256x256xf32>, vector<1000x256xf32> -> vector<1000x256xf32>
    %get3A_111 = arith.constant 0 : index
    %get3A_112 = arith.constant 0 : index
    %get3A_113 = vector.load %arg7[%get3A_111, %get3A_112] : memref<1x256xf32, #tpu.memory_space<vmem>>, vector<1x256xf32>
    %add3A_114 = vector.broadcast %get3A_113 : vector<1x256xf32> to vector<1000x256xf32>
    %add3A_115 = arith.addf %dot_general3A_110, %add3A_114 : vector<1000x256xf32>
    %max3A_116 = arith.constant 0.000000e+00 : f32
    %max3A_117 = vector.broadcast %max3A_116 : f32 to vector<1000x256xf32>
    %max3A_118 = arith.maximumf %add3A_115, %max3A_117 : vector<1000x256xf32>
    %add3A_119 = arith.addf %max3A_102, %max3A_118 : vector<1000x256xf32>
    %get3A_120 = arith.constant 0 : index
    %get3A_121 = arith.constant 0 : index
    %get3A_122 = arith.constant 0 : index
    %get3A_123 = vector.load %arg8[%get3A_120, %get3A_121, %get3A_122] : memref<1x1x1000xi32, #tpu.memory_space<vmem>>, vector<1x1x1000xi32>
    %get3A_124 = vector.shape_cast %get3A_123 : vector<1x1x1000xi32> to vector<1000xi32>
    %iota3A = tpu.iota {dimensions = array<i32: 0>} : vector<128x1000xi32>
    %broadcast_in_dim3A_125 = vector.shape_cast %get3A_124 : vector<1000xi32> to vector<1x1000xi32>
    %eq3A = vector.broadcast %broadcast_in_dim3A_125 : vector<1x1000xi32> to vector<128x1000xi32>
    %eq3A_126 = arith.cmpi eq, %iota3A, %eq3A : vector<128x1000xi32>
    %convert_element_type3A = arith.extui %eq3A_126 : vector<128x1000xi1> to vector<128x1000xi32>
    %convert_element_type3A_127 = arith.sitofp %convert_element_type3A : vector<128x1000xi32> to vector<128x1000xf32>
    %dot_general3A_128 = arith.constant dense<0.000000e+00> : vector<128x256xf32>
    %dot_general3A_129 = tpu.matmul %convert_element_type3A_127, %add3A_119, %dot_general3A_128 {dimension_numbers = #tpu.dot_dimension_numbers<[1], [0], [0], [1], [0, 0, 1, 1], [], []>, transpose_lhs_hint = false} : vector<128x1000xf32>, vector<1000x256xf32>, vector<128x256xf32> -> vector<128x256xf32>
    %reduce_sum3A = arith.constant dense<0.000000e+00> : vector<128xf32>
    %reduce_sum3A_130 = vector.multi_reduction <add>, %convert_element_type3A_127, %reduce_sum3A [1] : vector<128x1000xf32> to vector<128xf32>
    %broadcast_in_dim3A_131 = vector.shape_cast %reduce_sum3A_130 : vector<128xf32> to vector<128x1xf32>
    %eq3A_132 = arith.constant 0 : i32
    %eq3A_133 = arith.cmpi eq, %arg0, %eq3A_132 : i32
    %convert_element_type3A_134 = arith.extui %eq3A_133 : i1 to i32
    %cond3A = arith.constant 0 : i32
    %cond3A_135 = arith.cmpi ne, %convert_element_type3A_134, %cond3A : i32
    scf.if %cond3A_135 {
      %swap3A = arith.constant 0 : index
      %swap3A_145 = arith.constant 0 : index
      %swap3A_146 = vector.load %arg13[%swap3A, %swap3A_145] : memref<128x256xf32, #tpu.memory_space<vmem>>, vector<128x256xf32>
      tpu.vector_store %arg13[%swap3A, %swap3A_145], %dot_general3A_129 {strides = array<i32>} : memref<128x256xf32, #tpu.memory_space<vmem>>, vector<128x256xf32>,
      %swap3A_147 = arith.constant 0 : index
      %swap3A_148 = arith.constant 0 : index
      %swap3A_149 = vector.load %arg14[%swap3A_147, %swap3A_148] : memref<128x1xf32, #tpu.memory_space<vmem>>, vector<128x1xf32>
      tpu.vector_store %arg14[%swap3A_147, %swap3A_148], %broadcast_in_dim3A_131 {strides = array<i32>} : memref<128x1xf32, #tpu.memory_space<vmem>>, vector<128x1xf32>,
    } else {
    }
    %gt3A = arith.constant 0 : i32
    %gt3A_136 = arith.cmpi sgt, %arg0, %gt3A : i32
    %convert_element_type3A_137 = arith.extui %gt3A_136 : i1 to i32
    %cond3A_138 = arith.constant 0 : i32
    %cond3A_139 = arith.cmpi ne, %convert_element_type3A_137, %cond3A_138 : i32
    scf.if %cond3A_139 {
      %get3A_145 = arith.constant 0 : index
      %get3A_146 = arith.constant 0 : index
      %get3A_147 = vector.load %arg13[%get3A_145, %get3A_146] : memref<128x256xf32, #tpu.memory_space<vmem>>, vector<128x256xf32>
      %add3A_148 = arith.addf %get3A_147, %dot_general3A_129 : vector<128x256xf32>
      %swap3A = arith.constant 0 : index
      %swap3A_149 = arith.constant 0 : index
      %swap3A_150 = vector.load %arg13[%swap3A, %swap3A_149] : memref<128x256xf32, #tpu.memory_space<vmem>>, vector<128x256xf32>
      tpu.vector_store %arg13[%swap3A, %swap3A_149], %add3A_148 {strides = array<i32>} : memref<128x256xf32, #tpu.memory_space<vmem>>, vector<128x256xf32>,
      %get3A_151 = arith.constant 0 : index
      %get3A_152 = arith.constant 0 : index
      %get3A_153 = vector.load %arg14[%get3A_151, %get3A_152] : memref<128x1xf32, #tpu.memory_space<vmem>>, vector<128x1xf32>
      %add3A_154 = arith.addf %get3A_153, %broadcast_in_dim3A_131 : vector<128x1xf32>
      %swap3A_155 = arith.constant 0 : index
      %swap3A_156 = arith.constant 0 : index
      %swap3A_157 = vector.load %arg14[%swap3A_155, %swap3A_156] : memref<128x1xf32, #tpu.memory_space<vmem>>, vector<128x1xf32>
      tpu.vector_store %arg14[%swap3A_155, %swap3A_156], %add3A_154 {strides = array<i32>} : memref<128x1xf32, #tpu.memory_space<vmem>>, vector<128x1xf32>,
    } else {
    }
    %eq3A_140 = arith.constant 9 : i32
    %eq3A_141 = arith.cmpi eq, %arg0, %eq3A_140 : i32
    %convert_element_type3A_142 = arith.extui %eq3A_141 : i1 to i32
    %cond3A_143 = arith.constant 0 : i32
    %cond3A_144 = arith.cmpi ne, %convert_element_type3A_142, %cond3A_143 : i32
    scf.if %cond3A_144 {
      %get3A_145 = arith.constant 0 : index
      %get3A_146 = arith.constant 0 : index
      %get3A_147 = vector.load %arg13[%get3A_145, %get3A_146] : memref<128x256xf32, #tpu.memory_space<vmem>>, vector<128x256xf32>
      %get3A_148 = arith.constant 0 : index
      %get3A_149 = arith.constant 0 : index
      %get3A_150 = vector.load %arg14[%get3A_148, %get3A_149] : memref<128x1xf32, #tpu.memory_space<vmem>>, vector<128x1xf32>
      %max3A_151 = arith.constant 1.000000e+00 : f32
      %max3A_152 = vector.broadcast %max3A_151 : f32 to vector<128x1xf32>
      %max3A_153 = arith.maximumf %get3A_150, %max3A_152 : vector<128x1xf32>
      %div3A = vector.broadcast %max3A_153 : vector<128x1xf32> to vector<128x256xf32>
      %div3A_154 = arith.divf %get3A_147, %div3A : vector<128x256xf32>
      %swap3A = arith.constant 0 : index
      %swap3A_155 = arith.constant 0 : index
      %swap3A_156 = vector.load %arg12[%swap3A, %swap3A_155] : memref<128x256xf32, #tpu.memory_space<vmem>>, vector<128x256xf32>
      tpu.vector_store %arg12[%swap3A, %swap3A_155], %div3A_154 {strides = array<i32>} : memref<128x256xf32, #tpu.memory_space<vmem>>, vector<128x256xf32>,
      %get3A_157 = arith.constant 0 : index
      %get3A_158 = arith.constant 0 : index
      %get3A_159 = vector.load %arg9[%get3A_157, %get3A_158] : memref<256x16xf32, #tpu.memory_space<vmem>>, vector<256x16xf32>
      %dot_general3A_160 = arith.constant dense<0.000000e+00> : vector<128x16xf32>
      %dot_general3A_161 = tpu.matmul %div3A_154, %get3A_159, %dot_general3A_160 {dimension_numbers = #tpu.dot_dimension_numbers<[1], [0], [0], [1], [0, 0, 1, 1], [], []>, transpose_lhs_hint = false} : vector<128x256xf32>, vector<256x16xf32>, vector<128x16xf32> -> vector<128x16xf32>
      %get3A_162 = arith.constant 0 : index
      %get3A_163 = arith.constant 0 : index
      %get3A_164 = vector.load %arg10[%get3A_162, %get3A_163] : memref<1x16xf32, #tpu.memory_space<vmem>>, vector<1x16xf32>
      %add3A_165 = vector.broadcast %get3A_164 : vector<1x16xf32> to vector<128x16xf32>
      %add3A_166 = arith.addf %dot_general3A_161, %add3A_165 : vector<128x16xf32>
      %swap3A_167 = arith.constant 0 : index
      %swap3A_168 = arith.constant 0 : index
      %swap3A_169 = vector.load %arg11[%swap3A_167, %swap3A_168] : memref<128x16xf32, #tpu.memory_space<vmem>>, vector<128x16xf32>
      tpu.vector_store %arg11[%swap3A_167, %swap3A_168], %add3A_166 {strides = array<i32>} : memref<128x16xf32, #tpu.memory_space<vmem>>, vector<128x16xf32>,
    } else {
    }
    return
  }
  func.func @transform_0(%arg0: i32) -> (i32, i32, i32, i32) {
    %c0_i32 = arith.constant 0 : i32
    %c0_i32_0 = arith.constant 0 : i32
    %c0_i32_1 = arith.constant 0 : i32
    %c0_i32_2 = arith.constant 0 : i32
    return %c0_i32, %c0_i32_0, %arg0, %c0_i32_1 : i32, i32, i32, i32
  }
  func.func @transform_1(%arg0: i32) -> (i32, i32, i32) {
    %c0_i32 = arith.constant 0 : i32
    %c0_i32_0 = arith.constant 0 : i32
    %c0_i32_1 = arith.constant 0 : i32
    return %c0_i32, %arg0, %c0_i32_0 : i32, i32, i32
  }
  func.func @transform_2(%arg0: i32) -> (i32, i32, i32, i32) {
    %c0_i32 = arith.constant 0 : i32
    %c0_i32_0 = arith.constant 0 : i32
    %c0_i32_1 = arith.constant 0 : i32
    %c0_i32_2 = arith.constant 0 : i32
    return %c0_i32, %c0_i32_0, %arg0, %c0_i32_1 : i32, i32, i32, i32
  }
  func.func @transform_3(%arg0: i32) -> (i32, i32) {
    %c0_i32 = arith.constant 0 : i32
    %c0_i32_0 = arith.constant 0 : i32
    %c0_i32_1 = arith.constant 0 : i32
    return %c0_i32, %c0_i32_0 : i32, i32
  }
  func.func @transform_4(%arg0: i32) -> (i32, i32) {
    %c0_i32 = arith.constant 0 : i32
    %c0_i32_0 = arith.constant 0 : i32
    %c0_i32_1 = arith.constant 0 : i32
    return %c0_i32, %c0_i32_0 : i32, i32
  }
  func.func @transform_5(%arg0: i32) -> (i32, i32) {
    %c0_i32 = arith.constant 0 : i32
    %c0_i32_0 = arith.constant 0 : i32
    %c0_i32_1 = arith.constant 0 : i32
    return %c0_i32, %c0_i32_0 : i32, i32
  }
  func.func @transform_6(%arg0: i32) -> (i32, i32) {
    %c0_i32 = arith.constant 0 : i32
    %c0_i32_0 = arith.constant 0 : i32
    %c0_i32_1 = arith.constant 0 : i32
    return %c0_i32, %c0_i32_0 : i32, i32
  }
  func.func @transform_7(%arg0: i32) -> (i32, i32, i32) {
    %c0_i32 = arith.constant 0 : i32
    %c0_i32_0 = arith.constant 0 : i32
    %c0_i32_1 = arith.constant 0 : i32
    return %arg0, %c0_i32, %c0_i32_0 : i32, i32, i32
  }
  func.func @transform_8(%arg0: i32) -> (i32, i32) {
    %c0_i32 = arith.constant 0 : i32
    %c0_i32_0 = arith.constant 0 : i32
    %c0_i32_1 = arith.constant 0 : i32
    return %c0_i32, %c0_i32_0 : i32, i32
  }
  func.func @transform_9(%arg0: i32) -> (i32, i32) {
    %c0_i32 = arith.constant 0 : i32
    %c0_i32_0 = arith.constant 0 : i32
    %c0_i32_1 = arith.constant 0 : i32
    return %c0_i32, %c0_i32_0 : i32, i32
  }
  func.func @transform_10(%arg0: i32) -> (i32, i32) {
    %c0_i32 = arith.constant 0 : i32
    %c0_i32_0 = arith.constant 0 : i32
    %c0_i32_1 = arith.constant 0 : i32
    return %c0_i32, %c0_i32_0 : i32, i32
  }
  func.func @transform_11(%arg0: i32) -> (i32, i32) {
    %c0_i32 = arith.constant 0 : i32
    %c0_i32_0 = arith.constant 0 : i32
    %c0_i32_1 = arith.constant 0 : i32
    return %c0_i32, %c0_i32_0 : i32, i32
  }
}

</mosaic_0001>

<sc_bundles>
// kernel: closed_call.17.cloned.1.call-start
scs
__scs_entry_jumppad:
0x0: {  	(pc) =	sbr.rel $0x88, $3  }
0x1: {  	(tag) =	ssettag $0x0;
	lr =	simm.s32 $0x1  }
0x2: {  	[smem:$0x3F96] =	sst lr;
	_ =	strace $0xD0000000  }
0x3: {  	_ = 	snop  }
0x4: {  	_ = 	snop  }
0x5: {  	_ = 	snop  }
0x6: {  	_ = 	snop  }
0x7: {  	_ = 	snop  }
__scs_overlays_trampoline_lowered:
0x8: {  	[smem:$0x3FA5] =	sst s0  }
0x9: {  	[smem:$0x3FA6] =	sst s1  }
0xa: {  	[smem:$0x3FA7] =	sst s2  }
0xb: {  	[smem:$0x3FA8] =	sst s3  }
0xc: {  	[smem:$0x3FA9] =	sst s4  }
0xd: {  	[smem:$0x3FAA] =	sst s5  }
0xe: {  	[smem:$0x3FAB] =	sst s6  }
0xf: {  	[smem:$0x3FAC] =	sst s7  }
0x10: {  	[smem:$0x3FAD] =	sst s8  }
0x11: {  	[smem:$0x3FAE] =	sst s9;
	s0 =	simm.s32 @!p0 $0x0  }
0x12: {  	s1 =	sld [smem:$0x3F94];
	s0 =	simm.s32 @p0 $0x1  }
0x13: {  	[smem:$0x3FAF] =	sst s0;
	s0 =	simm.s32 @!p1 $0x0  }
0x14: {  	s2 =	sld [smem:$0x3F93];
	s0 =	simm.s32 @p1 $0x1  }
0x15: {  	[smem:$0x3FB0] =	sst s0;
	s0 =	simm.s32 @!p2 $0x0  }
0x16: {  	s3 =	sld [smem:$0x3FDB];
	s0 =	simm.s32 @p2 $0x1  }
0x17: {  	s4 =	simm.s32 $0x1BF5;
	[smem:$0x3FB2] =	sst s0  }
0x18: {  	s0 =	sld [smem:$0x3F95];
	_ =	swait.ge [sflag:s4], $0x0  }
0x19: {  	s7 =	sld [smem:$0x3F96]  }
0x1a: {  	s8 =	sadd.s32 $0xFFFFE003, lr  }
0x1b: {  	s9 =	sadd.s32 $0xFFFFFEF7, lr;
	s5 =	simm.s32 $0xFFFFFFFF;
	p2 =	slt.u32 s8, $0xFFFFF086  }
0x1c: {  	p1 =	slt.u32 s9, $0xF7A;
	s5 =	simm.s32 @!p2 $0x0  }
0x1d: {  	s5 =	simm.s32 @p1 $0x1;
	p0 =	seq.s32 s7, s2  }
0x1e: {  	s7 =	smul.u32 @!p0 $0xF7A, s2;
	p2 =	seq.s32 @!p0 s5, $0x0  }
0x1f: {  	s9 =	smul.u32 $0xF7A, s1;
	s8 =	simm.s32 @!p0 $0x1BF5;
	p2 =	por !p2, p0  }
0x20: {  	[sflag:s8] =	ssyncset.s32 @!p0 $0xFFFFF086;
	s6 =	sadd.s32 @!p0 s3, s7;
	s7 =	simm.s32 @!p0 $0x108  }
0x21: {  	s3 =	sadd.s32 s3, s9;
	s6 =	sadd.s32 @!p0 $0x88, s6;
	s7 =	simm.s32 @p2 $0x1082  }
0x22: {  	[simem:s7], [sflag:s8] =	dma.local @!p0 [hbm:s6], $0xF7A  }
0x23: {  	s9 =	sor.u32 $0xD0000000, s2;
	s6 =	simm.s32 $0x108;
	_ =	swait.ge @!p0 [sflag:s8], $0x0  }
0x24: {  	s3 =	sadd.s32 $0x88, s3;
	s6 =	simm.s32 @!p1 $0x1082;
	[sflag:s4] =	ssyncset.s32 $0xFFFFF086  }
0x25: {  	[simem:s6], [sflag:s4] =	dma.local [hbm:s3], $0xF7A  }
0x26: {  	[smem:$0x3F96] =	sst s1;
	(tag) =	ssettag s2;
	_ =	strace s9  }
0x27: {  	s1 =	sld [smem:$0x3FA6]  }
0x28: {  	s2 =	sld [smem:$0x3FA7]  }
0x29: {  	s4 =	sld [smem:$0x3FA9]  }
0x2a: {  	p0 =	seq.s32 s5, $0x0;
	s5 =	sld [smem:$0x3FAA]  }
0x2b: {  	s6 =	sld [smem:$0x3FAB]  }
0x2c: {  	s7 =	sld [smem:$0x3FAC]  }
0x2d: {  	s3 =	simm.s32 $0x108;
	s8 =	sld [smem:$0x3FAD]  }
0x2e: {  	s3 =	simm.s32 @!p0 $0x1082;
	s9 =	sld [smem:$0x3FAE]  }
0x2f: {  	lr =	sadd.s32 s0, s3;
	s0 =	sld [smem:$0x3FA5]  }
0x30: {  	s3 =	sld [smem:$0x3FA8]  }
0x31: {  	[smem:$0x3FB1] =	sst s10  }
0x32: {  	s10 =	sld [smem:$0x3FAF];
	_ =	sdelay $0x3  }
0x33: {  	p0 =	seq.s32 s10, $0x1;
	s10 =	sld [smem:$0x3FB1];
	_ =	sdelay $0x3  }
0x34: {  	[smem:$0x3FB1] =	sst s10  }
0x35: {  	s10 =	sld [smem:$0x3FB0];
	_ =	sdelay $0x3  }
0x36: {  	p1 =	seq.s32 s10, $0x1;
	s10 =	sld [smem:$0x3FB1];
	_ =	sdelay $0x3  }
0x37: {  	[smem:$0x3FB1] =	sst s10  }
0x38: {  	s10 =	sld [smem:$0x3FB2]  }
0x39: {  	_ = 	snop;
	(pc) =	sbr.ind lr, $3  }
0x3a: {  	_ = 	snop  }
0x3b: {  	_ = 	snop  }
0x3c: {  	p2 =	seq.s32 s10, $0x1;
	s10 =	sld [smem:$0x3FB1]  }
0x3d: {  	_ =	shalt  }
0x3e: {  	_ =	shalt  }
0x3f: {  	_ =	shalt  }
0x40: {  	_ =	shalt  }
0x41: {  	_ =	shalt  }
0x42: {  	_ =	shalt  }
0x43: {  	_ =	shalt  }
0x44: {  	_ =	shalt  }
0x45: {  	_ =	shalt  }
0x46: {  	_ =	shalt  }
0x47: {  	_ =	shalt  }
0x48: {  	_ =	shalt  }
0x49: {  	_ =	shalt  }
0x4a: {  	_ =	shalt  }
0x4b: {  	_ =	shalt  }
0x4c: {  	_ =	shalt  }
0x4d: {  	_ =	shalt  }
0x4e: {  	_ =	shalt  }
0x4f: {  	_ =	shalt  }
0x50: {  	_ =	shalt  }
0x51: {  	_ =	shalt  }
0x52: {  	_ =	shalt  }
0x53: {  	_ =	shalt  }
0x54: {  	_ =	shalt  }
0x55: {  	_ =	shalt  }
0x56: {  	_ =	shalt  }
0x57: {  	_ =	shalt  }
0x58: {  	_ =	shalt  }
0x59: {  	_ =	shalt  }
0x5a: {  	_ =	shalt  }
0x5b: {  	_ =	shalt  }
0x5c: {  	_ =	shalt  }
0x5d: {  	_ =	shalt  }
0x5e: {  	_ =	shalt  }
0x5f: {  	_ =	shalt  }
0x60: {  	_ =	shalt  }
0x61: {  	_ =	shalt  }
0x62: {  	_ =	shalt  }
0x63: {  	_ =	shalt  }
0x64: {  	_ =	shalt  }
0x65: {  	_ =	shalt  }
0x66: {  	_ =	shalt  }
0x67: {  	_ =	shalt  }
0x68: {  	_ =	shalt  }
0x69: {  	_ =	shalt  }
0x6a: {  	_ =	shalt  }
0x6b: {  	_ =	shalt  }
0x6c: {  	_ =	shalt  }
0x6d: {  	_ =	shalt  }
0x6e: {  	_ =	shalt  }
0x6f: {  	_ =	shalt  }
0x70: {  	_ =	shalt  }
0x71: {  	_ =	shalt  }
0x72: {  	_ =	shalt  }
0x73: {  	_ =	shalt  }
0x74: {  	_ =	shalt  }
0x75: {  	_ =	shalt  }
0x76: {  	_ =	shalt  }
0x77: {  	_ =	shalt  }
0x78: {  	_ =	shalt  }
0x79: {  	_ =	shalt  }
0x7a: {  	_ =	shalt  }
0x7b: {  	_ =	shalt  }
0x7c: {  	_ =	shalt  }
0x7d: {  	_ =	shalt  }
0x7e: {  	_ =	shalt  }
0x7f: {  	_ =	shalt  }
0x80: {  	_ =	shalt  }
0x81: {  	_ =	shalt  }
0x82: {  	_ =	shalt  }
0x83: {  	_ =	shalt  }
0x84: {  	_ =	shalt  }
0x85: {  	_ =	shalt  }
0x86: {  	_ =	shalt  }
0x87: {  	_ =	shalt  }
.Lfunc_end0:
.L_simem_size_0:
called_computation_lowered:
.L_overlay_start_0:
0x88: {  	s2 =	sld [smem:$0x3FD9]  }
0x89: {  	s3 =	sld [smem:$0x3FFE];
	_ =	sdelay $0x1  }
0x8a: {  	s1 =	srdreg.scid  }
0x8b: {  	s0 =	sand.u32 $0x1, s1  }
0x8c: {  	s16 =	sshll.u32 s0, $0xA;
	s2 =	sadd.s32 s3, s2  }
0x8d: {  	s2 =	sadd.s32 s2, s16  }
0x8e: {  	[smem:$0x3FBD] =	sst s2  }
0x8f: {  	_ = 	snop  }
0x90: {  	(tm) =	ssettm $0x1  }
0x91: {  	s17 =	sld [smem:$0x3FFB];
	_ =	sdelay $0x3  }
0x92: {  	_ =	strace s17  }
0x93: {  	s2 =	sld [smem:$0x3FFC];
	_ =	sdelay $0x3  }
0x94: {  	_ =	strace s2  }
0x95: {  	s2 =	sld [smem:$0x3FFD];
	_ =	sdelay $0x3  }
0x96: {  	_ =	strace s2  }
0x97: {  	_ =	strace $0x8FFFFFFF  }
0x98: {  	s18 =	sld [smem:$0x3FDB];
	_ =	sdelay $0x1  }
0x99: {  	s19 =	simm.s32 $_scs_section_size  }
0x9a: {  	s4 =	simm.s32 $_size__tile_overlayer_lowered;
	s5 =	simm.s32 $_tile_overlayer_lowered  }
0x9b: {  	s22 =	simm.s32 $0x1BFF;
	s21 =	sshll.u32 s5, $0x1;
	s2 =	sadd.s32 s19, s18  }
0x9c: {  	s6 =	simm.s32 $0x0;
	s20 =	sshll.u32 s4, $0x1;
	s4 =	sadd.s32 s21, s2  }
0x9d: {  	[timem:s6], [sflag:s22] =	dma.local [hbm:s4], s20  }
0x9e: {  	_ =	swait.ge [sflag:s22], s20  }
0x9f: {  	s3 =	ssub.s32 $0x0, s20;
	[sflag:s22] =	ssyncset.done $0x0  }
0xa0: {  	[sflag:s22] =	ssyncadd.s32 s3;
	_ =	sdelay $0x1  }
0xa1: {  	s23 =	simm.s32 $0x1B8B  }
0xa2: {  	_ =	swait.ge [sflag:s23], $0x1  }
0xa3: {  	[sflag:s23] =	ssyncset.done $0x0  }
0xa4: {  	s25 =	simm.s32 $0x1B8E;
	s24 =	sld [smem:$0x3FFE];
	[sflag:s23] =	ssyncadd.s32 $0xFFFFFFFF  }
0xa5: {  	s26 =	simm.s32 $execute0_lowered;
	[smem:$0x3FD2] =	sst s25  }
0xa6: {  	s4 =	sshll.u32 s26, $0x1;
	_ =	strace $0x80000046;
	[dreg:$0x1] =	wrdreg $0xFFFFFFFF  }
0xa7: {  	s28 =	simm.s32 $_size_execute0_lowered;
	s2 =	sadd.s32 s2, s4;
	[dreg:$0x0] =	wrdreg $0x0  }
0xa8: {  	s4 =	sshll.u32 s28, $0x1;
	[dreg:$0x2] =	wrdreg s2  }
0xa9: {  	[dreg:$0x3] =	wrdreg s4  }
0xaa: {  	[dreg:$0x4] =	wrdreg $0xC0  }
0xab: {  	_ =	task [dreg:s6], $0x5FFFF  }
0xac: {  	[dreg:$0x1] =	wrdreg $0xFFFFFFFF  }
0xad: {  	[dreg:$0x0] =	wrdreg $0x60  }
0xae: {  	[dreg:$0x2] =	wrdreg s24  }
0xaf: {  	[dreg:$0x3] =	wrdreg $0xA8800  }
0xb0: {  	[dreg:$0x4] =	wrdreg $0x9  }
0xb1: {  	_ =	task.clear_ibuf [dreg:s6], $0x5FFFF;
	_ =	strace $0x90000046  }
0xb2: {  	s29 =	simm.s32 $0x9;
	_ =	strace $0x80000048  }
0xb3: {  	_ =	swait.ge [sflag:s29], $0x1  }
0xb4: {  	[sflag:s29] =	ssyncadd.s32 $0xFFFFFFFF  }
0xb5: {  	_ =	strace $0x90000048  }
0xb6: {  	_ =	sfence  }
0xb7: {  	s30 =	sld [smem:$0x0];
	_ =	sdelay $0x2  }
0xb8: {  	s31 =	sshll.u32 s1, $0xD;
	s1 =	sshrl.u32 s1, $0x2  }
0xb9: {  	s3 =	sand.u32 $0x4000, s31;
	s1 =	sadd.s32 s1, s30  }
0xba: {  	s0 =	sor.u32 s3, s0;
	s1 =	sshll.u32 s1, $0x11  }
0xbb: {  	s0 =	sor.u32 s1, s0  }
0xbc: {  	s0 =	sadd.s32 $0x8F2B, s0  }
0xbd: {  	[sflag:s0] =	ssyncadd.remote.s32 $0x1  }
0xbe: {  	_ =	sfence.sel $0xFFFF  }
0xbf: {  	[dreg:$0x0] =	wrdreg $0xFFFFFFFF;
	(pc) =	sbr.abs _section_cstart, $3  }
0xc0: {  	[dreg:$0x1] =	wrdreg $0xFFFFFFFF  }
0xc1: {  	_ =	task.clear_ibuf [dreg:s6], $0x2FFFF;
	_ =	strace $0x9FFFFFFF  }
0xc2: {  	(tm) =	ssettm $0x7FFFFFFF  }
0xc3: {  	_ =	shalt  }
tec
execute0_lowered:
.L_overlay_start_1:
0x0: {  	(tag) =	ssettag $0x1  }
0x1: {  	s0 =	rddreg [dreg:$0x0]  }
0x2: {  	s2 =	rddreg [dreg:$0x1];
	s4 =	srdreg.scid  }
0x3: {  	s3 =	simm.s32 $0x0;
	s1 =	stileid.u32;
	s20 =	simm.s32 $0x2  }
0x4: {  	s23 =	simm.s32 $0x8080;
	s24 =	simm.s32 $0x50;
	s25 =	simm.s32 $0x3  }
0x5: {  	s26 =	simm.s32 $0x1;
	s28 =	simm.s32 $0x0;
	s7 =	sand.u32 $0x1, s4  }
0x6: {  	[smem:$0x7FF] =	sst s3;
	s5 =	sshll.u32 s1, $0xB;
	s8 =	smul.u32 $0x4F000, s1  }
0x7: {  	s29 =	sadd.s32 $0x337200, s0;
	s6 =	sadd.s32 $0x2A00, s0;
	s14 =	smul.u32 $0x13C00, s1  }
0x8: {  	s4 =	sshll.u32 s7, $0xF;
	_ =	strace $0x80000047;
	[dreg:$0x3] =	wrdreg s29  }
0x9: {  	s30 =	ssub.s32 $0x2, s7;
	s13 =	smul.u32 $0x13C000, s7;
	s5 =	sor.u32 s5, s4  }
0xa: {  	s4 =	sadd.s32 $0x27AC00, s0;
	s10 =	sshrl.u32 s30, $0x1;
	s8 =	sshrl.u32 s8, $0x2  }
0xb: {  	s9 =	sadd.s32 s5, s0;
	s0 =	ssub.s32 s30, s10;
	s7 =	sadd.s32 s8, s2  }
.Ltmp0:
0xc: {  	s13 =	sadd.s32 s13, s14;
	s8 =	sadd.s32 $0x317000, s9;
	(pc) =	sbr.rel .LBB2_1-.Ltmp0, $4  }
0xd: {  	s9 =	sadd.s32 $0x327000, s9;
	s10 =	sadd.s32 $0x2780, s7;
	s11 =	sadd.s32 $0x4F00, s7  }
0xe: {  	s12 =	sadd.s32 $0x7680, s7;
	s14 =	sadd.s32 $0x9E00, s7;
	s18 =	sshrl.u32 s13, $0x3  }
0xf: {  	s15 =	sadd.s32 $0xC580, s7;
	s16 =	sadd.s32 $0xED00, s7;
	s31 =	sadd.s32 s6, s18  }
0x10: {  	v0 =	vimm.f32 $0.0e+00;
	v1 =	vimm.f32 $1.000000000e+00;
	s17 =	sadd.s32 $0x11480, s7;
	s19 =	smax.u32 s0, $0x1;
	[dreg:$0x4] =	wrdreg s31  }
.LBB2_16:
0x11: {  	s28 =	sadd.s32 $0x1, s28  }
0x12: {  	p0 =	sne.s32 s28, s19  }
.Ltmp1:
0x13: {  	_ = 	snop;
	(pc) =	sbr.rel @!p0 .LBB2_17-.Ltmp1, $1  }
0x14: {  	_ =	sdelay $0x3  }
.LBB2_1:
0x15: {  	s0 =	rddreg [dreg:$0x3]  }
0x16: {  	[tilespmem:s3], [sflag:$0x2] =	stream.linear.gather [hbm4b:s0+s3], $0x80, $0x38;
	[tilespmem:$0x1E480] =	vst v63  }
0x17: {  	_ =	swait.ge [sflag:s20], $0x80  }
0x18: {  	[sflag:s20] =	ssyncset.done $0x0  }
0x19: {  	s22 =	simm.s32 $0x80;
	[sflag:s20] =	ssyncadd.s32 $0xFFFFFF80  }
0x1a: {  	[tilespmem:s22], [sflag:$0x2] =	stream.linear.gather [hbm4b:s8+s3], $0x3E80, $0x38;
	[tilespmem:$0x1E480] =	vst v63  }
0x1b: {  	_ =	swait.ge [sflag:s20], $0x3E80  }
0x1c: {  	[sflag:s20] =	ssyncset.done $0x0  }
0x1d: {  	s31 =	simm.s32 $0x4080;
	[sflag:s20] =	ssyncadd.s32 $0xFFFFC180  }
0x1e: {  	[tilespmem:s31], [sflag:$0x2] =	stream.linear.gather [hbm4b:s9+s3], $0x3E80, $0x38;
	[tilespmem:$0x1E480] =	vst v63  }
0x1f: {  	_ =	swait.ge [sflag:s20], $0x3E80  }
0x20: {  	[sflag:s20] =	ssyncset.done $0x0  }
0x21: {  	[sflag:s20] =	ssyncadd.s32 $0xFFFFC180  }
0x22: {  	v2 =	vld [tilespmem:$0x0];
	_ =	sdelay $0x4  }
0x23: {  	(v2sf) =	vpush v2, $0x0;
	_ =	sdelay $0xe  }
0x24: {  	s29 =	spop (v2sf)  }
0x25: {  	p0 =	sne.s32 s29, $0x0  }
.Ltmp2:
0x26: {  	_ = 	snop;
	(pc) =	sbr.rel @p0 .LBB2_9-.Ltmp2, $2  }
0x27: {  	_ =	sdelay $0x2  }
0x28: {  	s30 =	simm.s32 $0x0  }
0x29: {  	s29 =	sshra.s32 s3, $0x2;
	s0 =	sadd.s32 $0x200, s3  }
.LBB2_3:
0x2a: {  	p0 =	sne.s32 s0, $0x9E00;
	[tilespmem:s29+$0x80F0] =	vst v0  }
0x2b: {  	[tilespmem:s29+$0x8080] =	vst v0  }
0x2c: {  	[tilespmem:s29+$0x8090] =	vst v0  }
.Ltmp3:
0x2d: {  	[tilespmem:s29+$0x80A0] =	vst v0;
	(pc) =	sbr.rel @p0 .LBB2_3-.Ltmp3, $4  }
0x2e: {  	[tilespmem:s29+$0x80B0] =	vst v0  }
0x2f: {  	[tilespmem:s29+$0x80C0] =	vst v0  }
0x30: {  	[tilespmem:s29+$0x80D0] =	vst v0  }
0x31: {  	[tilespmem:s29+$0x80E0] =	vst v0;
	s29 =	sshra.s32 s0, $0x2;
	s0 =	sadd.s32 $0x200, s0  }
0x32: {  	[tilespmem:s29+$0x80F0] =	vst v0  }
0x33: {  	[tilespmem:s29+$0x8080] =	vst v0  }
0x34: {  	[tilespmem:s29+$0x8090] =	vst v0  }
0x35: {  	[tilespmem:s29+$0x80A0] =	vst v0  }
0x36: {  	[tilespmem:s29+$0x80B0] =	vst v0  }
0x37: {  	[tilespmem:s29+$0x80C0] =	vst v0  }
0x38: {  	[tilespmem:s29+$0x80D0] =	vst v0  }
0x39: {  	[tilespmem:s29+$0x80E0] =	vst v0  }
0x3a: {  	[spmem:s7] =	stream.linear.scatter [tilespmem:s23], [sflag:$0x2], $0x2780, $0x38;
	[tilespmem:$0x1E480] =	vst v63  }
0x3b: {  	_ =	swait.ge [sflag:s20], $0x2780  }
0x3c: {  	[sflag:s20] =	ssyncset.done $0x0  }
0x3d: {  	[sflag:s20] =	ssyncadd.s32 $0xFFFFD880  }
0x3e: {  	[spmem:s10] =	stream.linear.scatter [tilespmem:s23], [sflag:$0x2], $0x2780, $0x38;
	[tilespmem:$0x1E480] =	vst v63  }
0x3f: {  	_ =	swait.ge [sflag:s20], $0x2780  }
0x40: {  	[sflag:s20] =	ssyncset.done $0x0  }
0x41: {  	[sflag:s20] =	ssyncadd.s32 $0xFFFFD880  }
0x42: {  	[spmem:s11] =	stream.linear.scatter [tilespmem:s23], [sflag:$0x2], $0x2780, $0x38;
	[tilespmem:$0x1E480] =	vst v63  }
0x43: {  	_ =	swait.ge [sflag:s20], $0x2780  }
0x44: {  	[sflag:s20] =	ssyncset.done $0x0  }
0x45: {  	[sflag:s20] =	ssyncadd.s32 $0xFFFFD880  }
0x46: {  	[spmem:s12] =	stream.linear.scatter [tilespmem:s23], [sflag:$0x2], $0x2780, $0x38;
	[tilespmem:$0x1E480] =	vst v63  }
0x47: {  	_ =	swait.ge [sflag:s20], $0x2780  }
0x48: {  	[sflag:s20] =	ssyncset.done $0x0  }
0x49: {  	[sflag:s20] =	ssyncadd.s32 $0xFFFFD880  }
0x4a: {  	[spmem:s14] =	stream.linear.scatter [tilespmem:s23], [sflag:$0x2], $0x2780, $0x38;
	[tilespmem:$0x1E480] =	vst v63  }
0x4b: {  	_ =	swait.ge [sflag:s20], $0x2780  }
0x4c: {  	[sflag:s20] =	ssyncset.done $0x0  }
0x4d: {  	[sflag:s20] =	ssyncadd.s32 $0xFFFFD880  }
0x4e: {  	[spmem:s15] =	stream.linear.scatter [tilespmem:s23], [sflag:$0x2], $0x2780, $0x38;
	[tilespmem:$0x1E480] =	vst v63  }
0x4f: {  	_ =	swait.ge [sflag:s20], $0x2780  }
0x50: {  	[sflag:s20] =	ssyncset.done $0x0  }
0x51: {  	[sflag:s20] =	ssyncadd.s32 $0xFFFFD880  }
0x52: {  	[spmem:s16] =	stream.linear.scatter [tilespmem:s23], [sflag:$0x2], $0x2780, $0x38;
	[tilespmem:$0x1E480] =	vst v63  }
0x53: {  	_ =	swait.ge [sflag:s20], $0x2780  }
0x54: {  	[sflag:s20] =	ssyncset.done $0x0  }
0x55: {  	[sflag:s20] =	ssyncadd.s32 $0xFFFFD880  }
0x56: {  	[spmem:s17] =	stream.linear.scatter [tilespmem:s23], [sflag:$0x2], $0x2780, $0x38;
	[tilespmem:$0x1E480] =	vst v63  }
0x57: {  	_ =	swait.ge [sflag:s20], $0x2780  }
0x58: {  	[sflag:s20] =	ssyncset.done $0x0  }
0x59: {  	s29 =	simm.s32 $0x0;
	s0 =	simm.s32 $0x200;
	[sflag:s20] =	ssyncadd.s32 $0xFFFFD880  }
.LBB2_5:
0x5a: {  	p0 =	sne.s32 s0, $0x9E00;
	[tilespmem:s29+$0x80F0] =	vst v1  }
0x5b: {  	[tilespmem:s29+$0x8080] =	vst v1  }
0x5c: {  	[tilespmem:s29+$0x8090] =	vst v1  }
.Ltmp4:
0x5d: {  	[tilespmem:s29+$0x80A0] =	vst v1;
	(pc) =	sbr.rel @p0 .LBB2_5-.Ltmp4, $4  }
0x5e: {  	[tilespmem:s29+$0x80B0] =	vst v1  }
0x5f: {  	[tilespmem:s29+$0x80C0] =	vst v1  }
0x60: {  	[tilespmem:s29+$0x80D0] =	vst v1  }
0x61: {  	[tilespmem:s29+$0x80E0] =	vst v1;
	s29 =	sshra.s32 s0, $0x2;
	s0 =	sadd.s32 $0x200, s0  }
0x62: {  	[tilespmem:s29+$0x80F0] =	vst v1  }
0x63: {  	[tilespmem:s29+$0x8080] =	vst v1  }
0x64: {  	[tilespmem:s29+$0x8090] =	vst v1  }
0x65: {  	[tilespmem:s29+$0x80A0] =	vst v1  }
0x66: {  	[tilespmem:s29+$0x80B0] =	vst v1  }
0x67: {  	[tilespmem:s29+$0x80C0] =	vst v1  }
0x68: {  	[tilespmem:s29+$0x80D0] =	vst v1  }
0x69: {  	[tilespmem:s29+$0x80E0] =	vst v1  }
0x6a: {  	s0 =	simm.s32 $0x4080;
	[bflag:$0x0] =	sbarrier.arrive $0xFFFF  }
0x6b: {  	[spmem:s2] =	stream.indirect.scatter.add.f32 [tilespmem:s23], [sflag:$0x2], $0x80, s0, s24, $0xb8;
	[tilespmem:$0x1E480] =	vst v63  }
0x6c: {  	s0 =	simm.s32 $0x200;
	_ =	swait.ge [sflag:s20], $0x2800  }
.LBB2_7:
0x6d: {  	s18 =	sshra.s32 s0, $0x2;
	[sflag:s20] =	ssyncset.done $0x0;
	p0 =	sne.s32 s0, $0xF800  }
.Ltmp5:
0x6e: {  	s18 =	sadd.s32 $0x4080, s18;
	[sflag:s20] =	ssyncadd.s32 $0xFFFFD800;
	(pc) =	sbr.rel @p0 .LBB2_7-.Ltmp5, $3  }
0x6f: {  	[spmem:s2] =	stream.indirect.scatter.add.f32 [tilespmem:s23], [sflag:$0x2], $0x80, s18, s24, $0xb8;
	[tilespmem:$0x1E480] =	vst v63  }
0x70: {  	s0 =	sadd.s32 $0x200, s0;
	_ =	sdelay $0x1  }
0x71: {  	_ =	swait.ge [sflag:s20], $0x2800  }
0x72: {  	[sflag:s20] =	ssyncset.done $0x0  }
0x73: {  	[sflag:s20] =	ssyncadd.s32 $0xFFFFD800  }
0x74: {  	s0 =	sshll.u32 s1, $0x6;
	s18 =	sshrl.u32 s7, $0x3;
	[bflag:$0x0] =	sbarrier.arrive $0xFFFF  }
.Ltmp6:
0x75: {  	s0 =	sor.u32 $0x1C02, s0;
	s5 =	rddreg [dreg:$0x4];
	(pc) =	sbr.rel .LBB2_16-.Ltmp6, $4  }
0x76: {  	[hbm:s5], [sflag:s0] =	dma.local [spmem:s18], $0x2780  }
0x77: {  	_ =	swait.ge [sflag:s20], $0x2780  }
0x78: {  	[sflag:s20] =	ssyncset.done $0x0  }
0x79: {  	[sflag:s20] =	ssyncadd.s32 $0xFFFFD880  }
.LBB2_15:
0x7a: {  	s30 =	sadd.s32 $0x1, s30  }
0x7b: {  	p0 =	sne.s32 s30, $0x4  }
.Ltmp7:
0x7c: {  	_ = 	snop;
	(pc) =	sbr.rel @!p0 .LBB2_16-.Ltmp7, $1  }
0x7d: {  	_ =	sdelay $0x3  }
.LBB2_9:
0x7e: {  	p0 =	sge.s32 s30, s29  }
.Ltmp8:
0x7f: {  	_ = 	snop;
	(pc) =	sbr.rel @p0 .LBB2_15-.Ltmp8, $2  }
0x80: {  	_ =	sdelay $0x2  }
0x81: {  	s0 =	simm.s32 $0x0  }
0x82: {  	s31 =	sshra.s32 s0, $0x2;
	s0 =	sadd.s32 $0x200, s0  }
.LBB2_11:
0x83: {  	p0 =	sne.s32 s0, $0x9E00;
	[tilespmem:s31+$0x80F0] =	vst v0  }
0x84: {  	[tilespmem:s31+$0x8080] =	vst v0  }
0x85: {  	[tilespmem:s31+$0x8090] =	vst v0  }
.Ltmp9:
0x86: {  	[tilespmem:s31+$0x80A0] =	vst v0;
	(pc) =	sbr.rel @p0 .LBB2_11-.Ltmp9, $4  }
0x87: {  	[tilespmem:s31+$0x80B0] =	vst v0  }
0x88: {  	[tilespmem:s31+$0x80C0] =	vst v0  }
0x89: {  	[tilespmem:s31+$0x80D0] =	vst v0  }
0x8a: {  	[tilespmem:s31+$0x80E0] =	vst v0;
	s31 =	sshra.s32 s0, $0x2;
	s0 =	sadd.s32 $0x200, s0  }
0x8b: {  	[tilespmem:s31+$0x80F0] =	vst v0  }
0x8c: {  	[tilespmem:s31+$0x8080] =	vst v0  }
0x8d: {  	[tilespmem:s31+$0x8090] =	vst v0  }
0x8e: {  	[tilespmem:s31+$0x80A0] =	vst v0  }
0x8f: {  	[tilespmem:s31+$0x80B0] =	vst v0  }
0x90: {  	[tilespmem:s31+$0x80C0] =	vst v0  }
0x91: {  	[tilespmem:s31+$0x80D0] =	vst v0  }
0x92: {  	[tilespmem:s31+$0x80E0] =	vst v0  }
0x93: {  	[spmem:s7] =	stream.linear.scatter [tilespmem:s23], [sflag:$0x3], $0x2780, $0x38;
	[tilespmem:$0x1E480] =	vst v63  }
0x94: {  	_ =	swait.ge [sflag:s25], $0x2780  }
0x95: {  	[sflag:s25] =	ssyncset.done $0x0  }
0x96: {  	[sflag:s25] =	ssyncadd.s32 $0xFFFFD880  }
0x97: {  	[spmem:s10] =	stream.linear.scatter [tilespmem:s23], [sflag:$0x3], $0x2780, $0x38;
	[tilespmem:$0x1E480] =	vst v63  }
0x98: {  	_ =	swait.ge [sflag:s25], $0x2780  }
0x99: {  	[sflag:s25] =	ssyncset.done $0x0  }
0x9a: {  	[sflag:s25] =	ssyncadd.s32 $0xFFFFD880  }
0x9b: {  	[spmem:s11] =	stream.linear.scatter [tilespmem:s23], [sflag:$0x3], $0x2780, $0x38;
	[tilespmem:$0x1E480] =	vst v63  }
0x9c: {  	_ =	swait.ge [sflag:s25], $0x2780  }
0x9d: {  	[sflag:s25] =	ssyncset.done $0x0  }
0x9e: {  	[sflag:s25] =	ssyncadd.s32 $0xFFFFD880  }
0x9f: {  	[spmem:s12] =	stream.linear.scatter [tilespmem:s23], [sflag:$0x3], $0x2780, $0x38;
	[tilespmem:$0x1E480] =	vst v63  }
0xa0: {  	_ =	swait.ge [sflag:s25], $0x2780  }
0xa1: {  	[sflag:s25] =	ssyncset.done $0x0  }
0xa2: {  	[sflag:s25] =	ssyncadd.s32 $0xFFFFD880  }
0xa3: {  	[spmem:s14] =	stream.linear.scatter [tilespmem:s23], [sflag:$0x3], $0x2780, $0x38;
	[tilespmem:$0x1E480] =	vst v63  }
0xa4: {  	_ =	swait.ge [sflag:s25], $0x2780  }
0xa5: {  	[sflag:s25] =	ssyncset.done $0x0  }
0xa6: {  	[sflag:s25] =	ssyncadd.s32 $0xFFFFD880  }
0xa7: {  	[spmem:s15] =	stream.linear.scatter [tilespmem:s23], [sflag:$0x3], $0x2780, $0x38;
	[tilespmem:$0x1E480] =	vst v63  }
0xa8: {  	_ =	swait.ge [sflag:s25], $0x2780  }
0xa9: {  	[sflag:s25] =	ssyncset.done $0x0  }
0xaa: {  	[sflag:s25] =	ssyncadd.s32 $0xFFFFD880  }
0xab: {  	[spmem:s16] =	stream.linear.scatter [tilespmem:s23], [sflag:$0x3], $0x2780, $0x38;
	[tilespmem:$0x1E480] =	vst v63  }
0xac: {  	_ =	swait.ge [sflag:s25], $0x2780  }
0xad: {  	[sflag:s25] =	ssyncset.done $0x0  }
0xae: {  	[sflag:s25] =	ssyncadd.s32 $0xFFFFD880  }
0xaf: {  	[spmem:s17] =	stream.linear.scatter [tilespmem:s23], [sflag:$0x3], $0x2780, $0x38;
	[tilespmem:$0x1E480] =	vst v63  }
0xb0: {  	_ =	swait.ge [sflag:s25], $0x2780  }
0xb1: {  	s0 =	smul.u32 $0x27100, s30;
	[sflag:s25] =	ssyncset.done $0x0  }
0xb2: {  	[sflag:s25] =	ssyncadd.s32 $0xFFFFD880  }
0xb3: {  	s21 =	simm.s32 $0x80;
	s31 =	sadd.s32 s4, s0;
	[bflag:$0x0] =	sbarrier.arrive $0xFFFF  }
0xb4: {  	[tilespmem:s23], [sflag:$0x1] =	stream.indirect.gather [hbm4b:s31+s24], $0x80, s21, s24, $0xb8;
	[tilespmem:$0x1E480] =	vst v63  }
0xb5: {  	_ =	swait.ge [sflag:s26], $0x2800  }
0xb6: {  	[sflag:s26] =	ssyncset.done $0x0  }
0xb7: {  	s22 =	simm.s32 $0x4080;
	[sflag:s26] =	ssyncadd.s32 $0xFFFFD800  }
0xb8: {  	[spmem:s2] =	stream.indirect.scatter.add.f32 [tilespmem:s23], [sflag:$0x3], $0x80, s22, s24, $0xb8;
	[tilespmem:$0x1E480] =	vst v63  }
0xb9: {  	_ =	swait.ge [sflag:s25], $0x2800  }
0xba: {  	s18 =	simm.s32 $0x400;
	s0 =	simm.s32 $0x80;
	[sflag:s25] =	ssyncset.done $0x0  }
.LBB2_13:
0xbb: {  	s21 =	sadd.s32 $0x80, s0  }
0xbc: {  	[sflag:s25] =	ssyncadd.s32 $0xFFFFD800;
	s22 =	smov.u32 s18;
	s5 =	sadd.s32 $0x200, s18  }
0xbd: {  	[tilespmem:s23], [sflag:$0x1] =	stream.indirect.gather [hbm4b:s31+s24], $0x80, s21, s24, $0xb8;
	[tilespmem:$0x1E480] =	vst v63  }
0xbe: {  	p0 =	sne.s32 s18, $0xF800;
	_ =	swait.ge [sflag:s26], $0x2800  }
.Ltmp10:
0xbf: {  	[sflag:s26] =	ssyncset.done $0x0;
	(pc) =	sbr.rel @p0 .LBB2_13-.Ltmp10, $4  }
0xc0: {  	s0 =	sadd.s32 $0x4080, s0;
	[sflag:s26] =	ssyncadd.s32 $0xFFFFD800  }
0xc1: {  	[spmem:s2] =	stream.indirect.scatter.add.f32 [tilespmem:s23], [sflag:$0x3], $0x80, s0, s24, $0xb8;
	[tilespmem:$0x1E480] =	vst v63  }
0xc2: {  	_ =	swait.ge [sflag:s25], $0x2800  }
0xc3: {  	s18 =	smov.u32 s5;
	s0 =	sshra.s32 s22, $0x2;
	[sflag:s25] =	ssyncset.done $0x0  }
0xc4: {  	s5 =	sadd.s32 $0x80, s0;
	[sflag:s25] =	ssyncadd.s32 $0xFFFFD800  }
0xc5: {  	[tilespmem:s23], [sflag:$0x1] =	stream.indirect.gather [hbm4b:s31+s24], $0x80, s5, s24, $0xb8;
	[tilespmem:$0x1E480] =	vst v63  }
0xc6: {  	_ =	swait.ge [sflag:s26], $0x2800  }
0xc7: {  	[sflag:s26] =	ssyncset.done $0x0  }
0xc8: {  	s21 =	sadd.s32 $0x4080, s0;
	s22 =	smul.u32 $0x278000, s30;
	[sflag:s26] =	ssyncadd.s32 $0xFFFFD800  }
0xc9: {  	[spmem:s2] =	stream.indirect.scatter.add.f32 [tilespmem:s23], [sflag:$0x3], $0x80, s21, s24, $0xb8;
	[tilespmem:$0x1E480] =	vst v63  }
0xca: {  	s18 =	sshrl.u32 s7, $0x3;
	_ =	swait.ge [sflag:s25], $0x2800  }
0xcb: {  	s31 =	sshll.u32 s1, $0x6;
	s0 =	sadd.s32 s22, s13;
	[sflag:s25] =	ssyncset.done $0x0  }
0xcc: {  	s5 =	sor.u32 $0x1C02, s31;
	s0 =	sshrl.u32 s0, $0x3;
	[sflag:s25] =	ssyncadd.s32 $0xFFFFD800  }
.Ltmp11:
0xcd: {  	s0 =	sadd.s32 s6, s0;
	[bflag:$0x0] =	sbarrier.arrive $0xFFFF;
	(pc) =	sbr.rel .LBB2_15-.Ltmp11, $4  }
0xce: {  	[hbm:s0], [sflag:s5] =	dma.local [spmem:s18], $0x2780  }
0xcf: {  	_ =	swait.ge [sflag:s20], $0x2780  }
0xd0: {  	[sflag:s20] =	ssyncset.done $0x0  }
0xd1: {  	[sflag:s20] =	ssyncadd.s32 $0xFFFFD880  }
.LBB2_17:
0xd2: {  	_ =	sfence.sel $0x180000  }
0xd3: {  	[bflag:$0x0] =	sbarrier.arrive $0xFFFF  }
0xd4: {  	_ =	strace $0x90000047  }
0xd5: {  	[bflag:$0x2] =	sbarrier.arrive $0xFFFF  }
0xd6: {  	p0 =	sne.s32 s1, $0x0;
	s0 =	rddreg [dreg:$0x2]  }
0xd7: {  	s0 =	sadd.s32 @!p0 $0x100000, s0  }
0xd8: {  	[sflag:s0] =	ssyncadd.tile.s32 @!p0 $0x1;
	_ =	shalt  }
.Lfunc_end2:
_tile_overlayer_lowered:
.L_overlay_start_2:
0xd9: {  	(tag) =	ssettag $0x2  }
0xda: {  	s0 =	rddreg [dreg:$0x0];
	s2 =	stileid.u32  }
0xdb: {  	s1 =	rddreg [dreg:$0x1];
	p0 =	sne.s32 s2, $0x0  }
0xdc: {  	s3 =	rddreg [dreg:$0x2];
	[bflag:$0x3] =	sbarrier.arrive $0xFFFF;
	s2 =	simm.s32 @!p0 $0x1C02  }
0xdd: {  	[timem:s3], [sflag:s2] =	dma.local @!p0 [hbm:s0], s1  }
0xde: {  	s0 =	simm.s32 @!p0 $0x2  }
0xdf: {  	_ =	swait.ge @!p0 [sflag:s0], s1  }
0xe0: {  	s1 =	ssub.s32 @!p0 $0x0, s1;
	[sflag:s0] =	ssyncset.done @!p0 $0x0  }
0xe1: {  	[sflag:s0] =	ssyncadd.s32 @!p0 s1  }
0xe2: {  	[bflag:$0x3] =	sbarrier.arrive $0xFFFF  }
0xe3: {  	_ =	shalt  }

</sc_bundles>
